<compile_context>
chip_gen: v7x
topology: tpu7x:2x2x1
jax: 0.10.2.dev20260603
libtpu: 0.0.44.dev20260713+nightly
codegen_flags: <defaults>
</compile_context>

<pallas_src>
import functools

import jax
import jax.numpy as jnp
from jax import lax
from jax.experimental import pallas as pl
from jax.experimental.pallas import tpu as pltpu
from jax.experimental.pallas import tpu_sc as plsc

_V, _B, _D, _E = 2, 32, 2048, 64
_H = 4 * _D
_TOPK = 8
_HBLK = 512
_NBLK = _H // _HBLK
_T = _V * _B
_LANES = 16
_NWORK = _T // _LANES


def _logits_kernel(x_ref, keys_ref, rw_ref, rbt_ref, lt_ref):
    x = x_ref[...]
    k = keys_ref[...]
    kx = lax.dot_general(k, x, (((1,), (1,)), ((), ())),
                         preferred_element_type=jnp.float32)
    rx = lax.dot_general(rw_ref[...], x, (((1,), (1,)), ((), ())),
                         preferred_element_type=jnp.float32)
    router = jnp.concatenate([rx[:_E, :_B], rx[_E:, _B:]], axis=1)
    xn = jnp.sum(x * x, axis=1)[None, :]
    kn = jnp.sum(k * k, axis=1)[:, None]
    lt_ref[...] = 2.0 * kx - xn - kn + router + rbt_ref[...]


def _mlp_kernel(x_ref, w1_ref, b1_ref, w2_ref, out_ref):
    i = pl.program_id(0)
    h = lax.dot_general(x_ref[...], w1_ref[...], (((1,), (1,)), ((), ())),
                        preferred_element_type=jnp.float32)
    h = h + b1_ref[...]
    h = 0.5 * h * (1.0 + lax.erf(h * jnp.float32(0.7071067811865476)))
    contrib = lax.dot_general(h, w2_ref[...], (((1,), (1,)), ((), ())),
                              preferred_element_type=jnp.float32)

    @pl.when(i == 0)
    def _init():
        out_ref[...] = contrib

    @pl.when(i > 0)
    def _accum():
        out_ref[...] += contrib


def _combine_kernel(acc_ref, b2_ref, w_ref, out_ref):
    y = (acc_ref[...] + b2_ref[...]) * w_ref[...]
    out_ref[...] = y[:_B, :] + y[_B:, :]


_sc_mesh = plsc.VectorSubcoreMesh(core_axis_name="c", subcore_axis_name="s")


@functools.partial(
    pl.kernel, mesh=_sc_mesh,
    out_type=jax.ShapeDtypeStruct((_T,), jnp.float32),
    scratch_types=[
        pltpu.VMEM((_E, _T), jnp.float32),
        pltpu.VMEM((_LANES,), jnp.float32),
    ],
)
def _topk_wsum_sc(lt_hbm, out_hbm, lt_v, w_v):
    wid = lax.axis_index("s") * 2 + lax.axis_index("c")

    @pl.when(wid < _NWORK)
    def _():
        base = wid * _LANES
        pltpu.sync_copy(lt_hbm, lt_v)
        ms = [jnp.full((_LANES,), -1e30, jnp.float32) for _ in range(_TOPK)]
        for e in range(_E):
            t = lt_v[e, pl.ds(base, _LANES)]
            for j in range(_TOPK):
                hi = jnp.maximum(ms[j], t)
                t = jnp.minimum(ms[j], t)
                ms[j] = hi
        s = jnp.zeros((_LANES,), jnp.float32)
        for j in range(_TOPK):
            s = s + jnp.exp(ms[j] - ms[0])
        w_v[...] = s / s
        pltpu.sync_copy(w_v, out_hbm.at[pl.ds(base, _LANES)])


def kernel(views, expert_keys, w1, b1, w2, b2, router_w, router_b):
    x = views.reshape(_T, _D)
    keys = expert_keys.reshape(_E, _D)
    rw = router_w.reshape(_V * _E, _D)
    rbt = jnp.concatenate(
        [jnp.broadcast_to(router_b[0][:, None], (_E, _B)),
         jnp.broadcast_to(router_b[1][:, None], (_E, _B))], axis=1)
    b1r = b1.reshape(1, _H)
    b2r = b2.reshape(1, _D)

    lt = pl.pallas_call(
        _logits_kernel,
        in_specs=[pl.BlockSpec((_T, _D), lambda: (0, 0)),
                  pl.BlockSpec((_E, _D), lambda: (0, 0)),
                  pl.BlockSpec((_V * _E, _D), lambda: (0, 0)),
                  pl.BlockSpec((_E, _T), lambda: (0, 0))],
        out_specs=pl.BlockSpec((_E, _T), lambda: (0, 0)),
        out_shape=jax.ShapeDtypeStruct((_E, _T), jnp.float32),
    )(x, keys, rw, rbt)

    wsum = _topk_wsum_sc(lt)

    acc = pl.pallas_call(
        _mlp_kernel,
        grid=(_NBLK,),
        in_specs=[
            pl.BlockSpec((_T, _D), lambda i: (0, 0)),
            pl.BlockSpec((_HBLK, _D), lambda i: (i, 0)),
            pl.BlockSpec((1, _HBLK), lambda i: (0, i)),
            pl.BlockSpec((_D, _HBLK), lambda i: (0, i)),
        ],
        out_specs=pl.BlockSpec((_T, _D), lambda i: (0, 0)),
        out_shape=jax.ShapeDtypeStruct((_T, _D), jnp.float32),
        compiler_params=pltpu.CompilerParams(
            dimension_semantics=("arbitrary",)),
    )(x, w1, b1r, w2)

    out = pl.pallas_call(
        _combine_kernel,
        in_specs=[pl.BlockSpec((_T, _D), lambda: (0, 0)),
                  pl.BlockSpec((1, _D), lambda: (0, 0)),
                  pl.BlockSpec((_T, 1), lambda: (0, 0))],
        out_specs=pl.BlockSpec((_B, _D), lambda: (0, 0)),
        out_shape=jax.ShapeDtypeStruct((_B, _D), jnp.float32),
    )(acc, b2r, wsum.reshape(_T, 1))
    return out.reshape(_B, 1, _D)

# --- scband reference (transcript-rebuilt; emitter-appended) ---
"""Pipeline reference for scband-mo-eelement-fusion-42262478192784 (READ-ONLY COPY).

The authoritative reference and input builder live on the scoring server;
editing this copy changes nothing except your own understanding.
"""

import jax, jax.numpy as jnp
import numpy as np

TOP_K = 8

def setup_inputs(seed: int = 0):
    key = jax.random.key(seed)
    ks = jax.random.split(key, 8)
    V, B, L, D, E = 2, 32, 1, 2048, 64
    return {
        "views": jax.random.normal(ks[0], (V, B, L, D), dtype=jnp.float32),
        "expert_keys": jax.random.uniform(ks[1], (1, E, D), dtype=jnp.float32, minval=-0.02, maxval=0.02),
        "w1": jax.random.normal(ks[2], (4 * D, D), dtype=jnp.float32) * 0.02,
        "b1": jnp.zeros((4 * D,), dtype=jnp.float32),
        "w2": jax.random.normal(ks[3], (D, 4 * D), dtype=jnp.float32) * 0.02,
        "b2": jnp.zeros((D,), dtype=jnp.float32),
        "router_w": jax.random.normal(ks[4], (V, E, D), dtype=jnp.float32) * 0.02,
        "router_b": jnp.zeros((V, E), dtype=jnp.float32),
    }

def reference(views, expert_keys, w1, b1, w2, b2, router_w, router_b):
    # Faithful translation of MoEElementFusion.forward for L==1 (the only
    # shape the original .view() supports). Routers are created lazily per
    # view in torch; here router_w/router_b carry one router per view.
    fused = 0.0
    V = views.shape[0]
    for vi in range(V):
        v = views[vi]  # [B, 1, D]
        B = v.shape[0]
        keys = jnp.broadcast_to(expert_keys, (B,) + expert_keys.shape[1:])  # [B, E, D]
        # torch.cdist p=2, then squared and negated (Laplace gate)
        diff = v[:, :, None, :] - keys[:, None, :, :]
        dist = jnp.sqrt(jnp.sum(diff * diff, axis=-1))  # [B, 1, E]
        logits = -(dist ** 2) + (v @ router_w[vi].T + router_b[vi])
        top_val, top_idx = jax.lax.top_k(logits, TOP_K)
        weights = jax.nn.softmax(top_val, axis=-1)
        # cartesian_prod(arange(B), arange(L=1)) -> experts[j] with j==0 always;
        # expert 0 MLP applied to every token (exact GELU, as nn.GELU default).
        h = jax.nn.gelu(v @ w1.T + b1, approximate=False)
        exp_out = h @ w2.T + b2  # [B, 1, D]
        out = 0.0
        for k_slot in range(TOP_K):
            sel = top_idx[..., k_slot]  # computed but unused, as in torch source
            out = out + weights[..., k_slot:k_slot + 1] * exp_out
        fused = fused + out
    return fused

if __name__ == "__main__":
    import jax
    _d = setup_inputs()
    print(jax.jit(kernel)(*tuple(_d.values())))

</pallas_src>

<mosaic_0001>
#map = affine_map<(d0, d1) -> (0, 0)>
#map1 = affine_map<(d0, d1) -> (0)>
module attributes {stable_mosaic.version = 14 : i64} {
  func.func @_topk_wsum_sc(%arg0: i32, %arg1: i32, %arg2: memref<64x64xf32, #tpu.memory_space<hbm>>, %arg3: memref<64xf32, #tpu.memory_space<hbm>>, %arg4: memref<64x64xf32, #tpu.memory_space<vmem>>, %arg5: memref<16xf32, #tpu.memory_space<vmem>>) attributes {dimension_semantics = [#tpu.dimension_semantics<core_parallel>, #tpu.dimension_semantics<subcore_parallel>], iteration_bounds = array<i64: 2, 16>, scalar_prefetch = 0 : i64, scratch_operands = 2 : i64, tpu.core_type = #tpu.core_type<sc_vector_subcore>, window_params = [{transform_indices = #map}, {transform_indices = #map1}]} {
    %mul3A = arith.constant 2 : i32
    %mul3A_0 = arith.muli %arg1, %mul3A : i32
    %add3A = arith.addi %mul3A_0, %arg0 : i32
    %lt3A = arith.constant 4 : i32
    %lt3A_1 = arith.cmpi slt, %add3A, %lt3A : i32
    %convert_element_type3A = arith.extui %lt3A_1 : i1 to i32
    %cond3A = arith.constant 0 : i32
    %cond3A_2 = arith.cmpi ne, %convert_element_type3A, %cond3A : i32
    scf.if %cond3A_2 {
      %mul3A_3 = arith.constant 16 : i32
      %mul3A_4 = arith.muli %add3A, %mul3A_3 : i32
      "tpu.region"() ({
        %run_scoped3A = tpu.sem_alloc : memref<!tpu.dma_semaphore, #tpu.memory_space<semaphore_mem>>
        tpu.enqueue_dma source(%arg2 : memref<64x64xf32, #tpu.memory_space<hbm>>) target(%arg4 : memref<64x64xf32, #tpu.memory_space<vmem>>) target_semaphore(%run_scoped3A : memref<!tpu.dma_semaphore, #tpu.memory_space<semaphore_mem>>)
        tpu.wait_dma2 semaphore(%run_scoped3A : memref<!tpu.dma_semaphore, #tpu.memory_space<semaphore_mem>>) src(%arg2 : memref<64x64xf32, #tpu.memory_space<hbm>>) dst(%arg4 : memref<64x64xf32, #tpu.memory_space<vmem>>)
        tpu.yield
      }) : () -> ()
      %broadcast_in_dim3A = arith.constant -1.000000e+30 : f32
      %broadcast_in_dim3A_5 = vector.broadcast %broadcast_in_dim3A : f32 to vector<16xf32>
      %broadcast_in_dim3A_6 = arith.constant -1.000000e+30 : f32
      %broadcast_in_dim3A_7 = vector.broadcast %broadcast_in_dim3A_6 : f32 to vector<16xf32>
      %broadcast_in_dim3A_8 = arith.constant -1.000000e+30 : f32
      %broadcast_in_dim3A_9 = vector.broadcast %broadcast_in_dim3A_8 : f32 to vector<16xf32>
      %broadcast_in_dim3A_10 = arith.constant -1.000000e+30 : f32
      %broadcast_in_dim3A_11 = vector.broadcast %broadcast_in_dim3A_10 : f32 to vector<16xf32>
      %broadcast_in_dim3A_12 = arith.constant -1.000000e+30 : f32
      %broadcast_in_dim3A_13 = vector.broadcast %broadcast_in_dim3A_12 : f32 to vector<16xf32>
      %broadcast_in_dim3A_14 = arith.constant -1.000000e+30 : f32
      %broadcast_in_dim3A_15 = vector.broadcast %broadcast_in_dim3A_14 : f32 to vector<16xf32>
      %broadcast_in_dim3A_16 = arith.constant -1.000000e+30 : f32
      %broadcast_in_dim3A_17 = vector.broadcast %broadcast_in_dim3A_16 : f32 to vector<16xf32>
      %broadcast_in_dim3A_18 = arith.constant -1.000000e+30 : f32
      %broadcast_in_dim3A_19 = vector.broadcast %broadcast_in_dim3A_18 : f32 to vector<16xf32>
      %get3A = arith.constant 0 : i32
      %get3A_20 = arith.index_cast %get3A : i32 to index
      %get3A_21 = arith.index_cast %mul3A_4 : i32 to index
      %get3A_22 = tpu.vector_load %arg4[%get3A_20, %get3A_21] {strides = array<i32>} : memref<64x64xf32, #tpu.memory_space<vmem>>, vector<1x16xf32>,
      %get3A_23 = vector.shape_cast %get3A_22 : vector<1x16xf32> to vector<16xf32>
      %max3A = arith.maximumf %broadcast_in_dim3A_5, %get3A_23 : vector<16xf32>
      %min3A = arith.minimumf %broadcast_in_dim3A_5, %get3A_23 : vector<16xf32>
      %max3A_24 = arith.maximumf %broadcast_in_dim3A_7, %min3A : vector<16xf32>
      %min3A_25 = arith.minimumf %broadcast_in_dim3A_7, %min3A : vector<16xf32>
      %max3A_26 = arith.maximumf %broadcast_in_dim3A_9, %min3A_25 : vector<16xf32>
      %min3A_27 = arith.minimumf %broadcast_in_dim3A_9, %min3A_25 : vector<16xf32>
      %max3A_28 = arith.maximumf %broadcast_in_dim3A_11, %min3A_27 : vector<16xf32>
      %min3A_29 = arith.minimumf %broadcast_in_dim3A_11, %min3A_27 : vector<16xf32>
      %max3A_30 = arith.maximumf %broadcast_in_dim3A_13, %min3A_29 : vector<16xf32>
      %min3A_31 = arith.minimumf %broadcast_in_dim3A_13, %min3A_29 : vector<16xf32>
      %max3A_32 = arith.maximumf %broadcast_in_dim3A_15, %min3A_31 : vector<16xf32>
      %min3A_33 = arith.minimumf %broadcast_in_dim3A_15, %min3A_31 : vector<16xf32>
      %max3A_34 = arith.maximumf %broadcast_in_dim3A_17, %min3A_33 : vector<16xf32>
      %min3A_35 = arith.minimumf %broadcast_in_dim3A_17, %min3A_33 : vector<16xf32>
      %max3A_36 = arith.maximumf %broadcast_in_dim3A_19, %min3A_35 : vector<16xf32>
      %min3A_37 = arith.minimumf %broadcast_in_dim3A_19, %min3A_35 : vector<16xf32>
      %get3A_38 = arith.constant 1 : i32
      %get3A_39 = arith.index_cast %get3A_38 : i32 to index
      %get3A_40 = arith.index_cast %mul3A_4 : i32 to index
      %get3A_41 = tpu.vector_load %arg4[%get3A_39, %get3A_40] {strides = array<i32>} : memref<64x64xf32, #tpu.memory_space<vmem>>, vector<1x16xf32>,
      %get3A_42 = vector.shape_cast %get3A_41 : vector<1x16xf32> to vector<16xf32>
      %max3A_43 = arith.maximumf %max3A, %get3A_42 : vector<16xf32>
      %min3A_44 = arith.minimumf %max3A, %get3A_42 : vector<16xf32>
      %max3A_45 = arith.maximumf %max3A_24, %min3A_44 : vector<16xf32>
      %min3A_46 = arith.minimumf %max3A_24, %min3A_44 : vector<16xf32>
      %max3A_47 = arith.maximumf %max3A_26, %min3A_46 : vector<16xf32>
      %min3A_48 = arith.minimumf %max3A_26, %min3A_46 : vector<16xf32>
      %max3A_49 = arith.maximumf %max3A_28, %min3A_48 : vector<16xf32>
      %min3A_50 = arith.minimumf %max3A_28, %min3A_48 : vector<16xf32>
      %max3A_51 = arith.maximumf %max3A_30, %min3A_50 : vector<16xf32>
      %min3A_52 = arith.minimumf %max3A_30, %min3A_50 : vector<16xf32>
      %max3A_53 = arith.maximumf %max3A_32, %min3A_52 : vector<16xf32>
      %min3A_54 = arith.minimumf %max3A_32, %min3A_52 : vector<16xf32>
      %max3A_55 = arith.maximumf %max3A_34, %min3A_54 : vector<16xf32>
      %min3A_56 = arith.minimumf %max3A_34, %min3A_54 : vector<16xf32>
      %max3A_57 = arith.maximumf %max3A_36, %min3A_56 : vector<16xf32>
      %min3A_58 = arith.minimumf %max3A_36, %min3A_56 : vector<16xf32>
      %get3A_59 = arith.constant 2 : i32
      %get3A_60 = arith.index_cast %get3A_59 : i32 to index
      %get3A_61 = arith.index_cast %mul3A_4 : i32 to index
      %get3A_62 = tpu.vector_load %arg4[%get3A_60, %get3A_61] {strides = array<i32>} : memref<64x64xf32, #tpu.memory_space<vmem>>, vector<1x16xf32>,
      %get3A_63 = vector.shape_cast %get3A_62 : vector<1x16xf32> to vector<16xf32>
      %max3A_64 = arith.maximumf %max3A_43, %get3A_63 : vector<16xf32>
      %min3A_65 = arith.minimumf %max3A_43, %get3A_63 : vector<16xf32>
      %max3A_66 = arith.maximumf %max3A_45, %min3A_65 : vector<16xf32>
      %min3A_67 = arith.minimumf %max3A_45, %min3A_65 : vector<16xf32>
      %max3A_68 = arith.maximumf %max3A_47, %min3A_67 : vector<16xf32>
      %min3A_69 = arith.minimumf %max3A_47, %min3A_67 : vector<16xf32>
      %max3A_70 = arith.maximumf %max3A_49, %min3A_69 : vector<16xf32>
      %min3A_71 = arith.minimumf %max3A_49, %min3A_69 : vector<16xf32>
      %max3A_72 = arith.maximumf %max3A_51, %min3A_71 : vector<16xf32>
      %min3A_73 = arith.minimumf %max3A_51, %min3A_71 : vector<16xf32>
      %max3A_74 = arith.maximumf %max3A_53, %min3A_73 : vector<16xf32>
      %min3A_75 = arith.minimumf %max3A_53, %min3A_73 : vector<16xf32>
      %max3A_76 = arith.maximumf %max3A_55, %min3A_75 : vector<16xf32>
      %min3A_77 = arith.minimumf %max3A_55, %min3A_75 : vector<16xf32>
      %max3A_78 = arith.maximumf %max3A_57, %min3A_77 : vector<16xf32>
      %min3A_79 = arith.minimumf %max3A_57, %min3A_77 : vector<16xf32>
      %get3A_80 = arith.constant 3 : i32
      %get3A_81 = arith.index_cast %get3A_80 : i32 to index
      %get3A_82 = arith.index_cast %mul3A_4 : i32 to index
      %get3A_83 = tpu.vector_load %arg4[%get3A_81, %get3A_82] {strides = array<i32>} : memref<64x64xf32, #tpu.memory_space<vmem>>, vector<1x16xf32>,
      %get3A_84 = vector.shape_cast %get3A_83 : vector<1x16xf32> to vector<16xf32>
      %max3A_85 = arith.maximumf %max3A_64, %get3A_84 : vector<16xf32>
      %min3A_86 = arith.minimumf %max3A_64, %get3A_84 : vector<16xf32>
      %max3A_87 = arith.maximumf %max3A_66, %min3A_86 : vector<16xf32>
      %min3A_88 = arith.minimumf %max3A_66, %min3A_86 : vector<16xf32>
      %max3A_89 = arith.maximumf %max3A_68, %min3A_88 : vector<16xf32>
      %min3A_90 = arith.minimumf %max3A_68, %min3A_88 : vector<16xf32>
      %max3A_91 = arith.maximumf %max3A_70, %min3A_90 : vector<16xf32>
      %min3A_92 = arith.minimumf %max3A_70, %min3A_90 : vector<16xf32>
      %max3A_93 = arith.maximumf %max3A_72, %min3A_92 : vector<16xf32>
      %min3A_94 = arith.minimumf %max3A_72, %min3A_92 : vector<16xf32>
      %max3A_95 = arith.maximumf %max3A_74, %min3A_94 : vector<16xf32>
      %min3A_96 = arith.minimumf %max3A_74, %min3A_94 : vector<16xf32>
      %max3A_97 = arith.maximumf %max3A_76, %min3A_96 : vector<16xf32>
      %min3A_98 = arith.minimumf %max3A_76, %min3A_96 : vector<16xf32>
      %max3A_99 = arith.maximumf %max3A_78, %min3A_98 : vector<16xf32>
      %min3A_100 = arith.minimumf %max3A_78, %min3A_98 : vector<16xf32>
      %get3A_101 = arith.constant 4 : i32
      %get3A_102 = arith.index_cast %get3A_101 : i32 to index
      %get3A_103 = arith.index_cast %mul3A_4 : i32 to index
      %get3A_104 = tpu.vector_load %arg4[%get3A_102, %get3A_103] {strides = array<i32>} : memref<64x64xf32, #tpu.memory_space<vmem>>, vector<1x16xf32>,
      %get3A_105 = vector.shape_cast %get3A_104 : vector<1x16xf32> to vector<16xf32>
      %max3A_106 = arith.maximumf %max3A_85, %get3A_105 : vector<16xf32>
      %min3A_107 = arith.minimumf %max3A_85, %get3A_105 : vector<16xf32>
      %max3A_108 = arith.maximumf %max3A_87, %min3A_107 : vector<16xf32>
      %min3A_109 = arith.minimumf %max3A_87, %min3A_107 : vector<16xf32>
      %max3A_110 = arith.maximumf %max3A_89, %min3A_109 : vector<16xf32>
      %min3A_111 = arith.minimumf %max3A_89, %min3A_109 : vector<16xf32>
      %max3A_112 = arith.maximumf %max3A_91, %min3A_111 : vector<16xf32>
      %min3A_113 = arith.minimumf %max3A_91, %min3A_111 : vector<16xf32>
      %max3A_114 = arith.maximumf %max3A_93, %min3A_113 : vector<16xf32>
      %min3A_115 = arith.minimumf %max3A_93, %min3A_113 : vector<16xf32>
      %max3A_116 = arith.maximumf %max3A_95, %min3A_115 : vector<16xf32>
      %min3A_117 = arith.minimumf %max3A_95, %min3A_115 : vector<16xf32>
      %max3A_118 = arith.maximumf %max3A_97, %min3A_117 : vector<16xf32>
      %min3A_119 = arith.minimumf %max3A_97, %min3A_117 : vector<16xf32>
      %max3A_120 = arith.maximumf %max3A_99, %min3A_119 : vector<16xf32>
      %min3A_121 = arith.minimumf %max3A_99, %min3A_119 : vector<16xf32>
      %get3A_122 = arith.constant 5 : i32
      %get3A_123 = arith.index_cast %get3A_122 : i32 to index
      %get3A_124 = arith.index_cast %mul3A_4 : i32 to index
      %get3A_125 = tpu.vector_load %arg4[%get3A_123, %get3A_124] {strides = array<i32>} : memref<64x64xf32, #tpu.memory_space<vmem>>, vector<1x16xf32>,
      %get3A_126 = vector.shape_cast %get3A_125 : vector<1x16xf32> to vector<16xf32>
      %max3A_127 = arith.maximumf %max3A_106, %get3A_126 : vector<16xf32>
      %min3A_128 = arith.minimumf %max3A_106, %get3A_126 : vector<16xf32>
      %max3A_129 = arith.maximumf %max3A_108, %min3A_128 : vector<16xf32>
      %min3A_130 = arith.minimumf %max3A_108, %min3A_128 : vector<16xf32>
      %max3A_131 = arith.maximumf %max3A_110, %min3A_130 : vector<16xf32>
      %min3A_132 = arith.minimumf %max3A_110, %min3A_130 : vector<16xf32>
      %max3A_133 = arith.maximumf %max3A_112, %min3A_132 : vector<16xf32>
      %min3A_134 = arith.minimumf %max3A_112, %min3A_132 : vector<16xf32>
      %max3A_135 = arith.maximumf %max3A_114, %min3A_134 : vector<16xf32>
      %min3A_136 = arith.minimumf %max3A_114, %min3A_134 : vector<16xf32>
      %max3A_137 = arith.maximumf %max3A_116, %min3A_136 : vector<16xf32>
      %min3A_138 = arith.minimumf %max3A_116, %min3A_136 : vector<16xf32>
      %max3A_139 = arith.maximumf %max3A_118, %min3A_138 : vector<16xf32>
      %min3A_140 = arith.minimumf %max3A_118, %min3A_138 : vector<16xf32>
      %max3A_141 = arith.maximumf %max3A_120, %min3A_140 : vector<16xf32>
      %min3A_142 = arith.minimumf %max3A_120, %min3A_140 : vector<16xf32>
      %get3A_143 = arith.constant 6 : i32
      %get3A_144 = arith.index_cast %get3A_143 : i32 to index
      %get3A_145 = arith.index_cast %mul3A_4 : i32 to index
      %get3A_146 = tpu.vector_load %arg4[%get3A_144, %get3A_145] {strides = array<i32>} : memref<64x64xf32, #tpu.memory_space<vmem>>, vector<1x16xf32>,
      %get3A_147 = vector.shape_cast %get3A_146 : vector<1x16xf32> to vector<16xf32>
      %max3A_148 = arith.maximumf %max3A_127, %get3A_147 : vector<16xf32>
      %min3A_149 = arith.minimumf %max3A_127, %get3A_147 : vector<16xf32>
      %max3A_150 = arith.maximumf %max3A_129, %min3A_149 : vector<16xf32>
      %min3A_151 = arith.minimumf %max3A_129, %min3A_149 : vector<16xf32>
      %max3A_152 = arith.maximumf %max3A_131, %min3A_151 : vector<16xf32>
      %min3A_153 = arith.minimumf %max3A_131, %min3A_151 : vector<16xf32>
      %max3A_154 = arith.maximumf %max3A_133, %min3A_153 : vector<16xf32>
      %min3A_155 = arith.minimumf %max3A_133, %min3A_153 : vector<16xf32>
      %max3A_156 = arith.maximumf %max3A_135, %min3A_155 : vector<16xf32>
      %min3A_157 = arith.minimumf %max3A_135, %min3A_155 : vector<16xf32>
      %max3A_158 = arith.maximumf %max3A_137, %min3A_157 : vector<16xf32>
      %min3A_159 = arith.minimumf %max3A_137, %min3A_157 : vector<16xf32>
      %max3A_160 = arith.maximumf %max3A_139, %min3A_159 : vector<16xf32>
      %min3A_161 = arith.minimumf %max3A_139, %min3A_159 : vector<16xf32>
      %max3A_162 = arith.maximumf %max3A_141, %min3A_161 : vector<16xf32>
      %min3A_163 = arith.minimumf %max3A_141, %min3A_161 : vector<16xf32>
      %get3A_164 = arith.constant 7 : i32
      %get3A_165 = arith.index_cast %get3A_164 : i32 to index
      %get3A_166 = arith.index_cast %mul3A_4 : i32 to index
      %get3A_167 = tpu.vector_load %arg4[%get3A_165, %get3A_166] {strides = array<i32>} : memref<64x64xf32, #tpu.memory_space<vmem>>, vector<1x16xf32>,
      %get3A_168 = vector.shape_cast %get3A_167 : vector<1x16xf32> to vector<16xf32>
      %max3A_169 = arith.maximumf %max3A_148, %get3A_168 : vector<16xf32>
      %min3A_170 = arith.minimumf %max3A_148, %get3A_168 : vector<16xf32>
      %max3A_171 = arith.maximumf %max3A_150, %min3A_170 : vector<16xf32>
      %min3A_172 = arith.minimumf %max3A_150, %min3A_170 : vector<16xf32>
      %max3A_173 = arith.maximumf %max3A_152, %min3A_172 : vector<16xf32>
      %min3A_174 = arith.minimumf %max3A_152, %min3A_172 : vector<16xf32>
      %max3A_175 = arith.maximumf %max3A_154, %min3A_174 : vector<16xf32>
      %min3A_176 = arith.minimumf %max3A_154, %min3A_174 : vector<16xf32>
      %max3A_177 = arith.maximumf %max3A_156, %min3A_176 : vector<16xf32>
      %min3A_178 = arith.minimumf %max3A_156, %min3A_176 : vector<16xf32>
      %max3A_179 = arith.maximumf %max3A_158, %min3A_178 : vector<16xf32>
      %min3A_180 = arith.minimumf %max3A_158, %min3A_178 : vector<16xf32>
      %max3A_181 = arith.maximumf %max3A_160, %min3A_180 : vector<16xf32>
      %min3A_182 = arith.minimumf %max3A_160, %min3A_180 : vector<16xf32>
      %max3A_183 = arith.maximumf %max3A_162, %min3A_182 : vector<16xf32>
      %min3A_184 = arith.minimumf %max3A_162, %min3A_182 : vector<16xf32>
      %get3A_185 = arith.constant 8 : i32
      %get3A_186 = arith.index_cast %get3A_185 : i32 to index
      %get3A_187 = arith.index_cast %mul3A_4 : i32 to index
      %get3A_188 = tpu.vector_load %arg4[%get3A_186, %get3A_187] {strides = array<i32>} : memref<64x64xf32, #tpu.memory_space<vmem>>, vector<1x16xf32>,
      %get3A_189 = vector.shape_cast %get3A_188 : vector<1x16xf32> to vector<16xf32>
      %max3A_190 = arith.maximumf %max3A_169, %get3A_189 : vector<16xf32>
      %min3A_191 = arith.minimumf %max3A_169, %get3A_189 : vector<16xf32>
      %max3A_192 = arith.maximumf %max3A_171, %min3A_191 : vector<16xf32>
      %min3A_193 = arith.minimumf %max3A_171, %min3A_191 : vector<16xf32>
      %max3A_194 = arith.maximumf %max3A_173, %min3A_193 : vector<16xf32>
      %min3A_195 = arith.minimumf %max3A_173, %min3A_193 : vector<16xf32>
      %max3A_196 = arith.maximumf %max3A_175, %min3A_195 : vector<16xf32>
      %min3A_197 = arith.minimumf %max3A_175, %min3A_195 : vector<16xf32>
      %max3A_198 = arith.maximumf %max3A_177, %min3A_197 : vector<16xf32>
      %min3A_199 = arith.minimumf %max3A_177, %min3A_197 : vector<16xf32>
      %max3A_200 = arith.maximumf %max3A_179, %min3A_199 : vector<16xf32>
      %min3A_201 = arith.minimumf %max3A_179, %min3A_199 : vector<16xf32>
      %max3A_202 = arith.maximumf %max3A_181, %min3A_201 : vector<16xf32>
      %min3A_203 = arith.minimumf %max3A_181, %min3A_201 : vector<16xf32>
      %max3A_204 = arith.maximumf %max3A_183, %min3A_203 : vector<16xf32>
      %min3A_205 = arith.minimumf %max3A_183, %min3A_203 : vector<16xf32>
      %get3A_206 = arith.constant 9 : i32
      %get3A_207 = arith.index_cast %get3A_206 : i32 to index
      %get3A_208 = arith.index_cast %mul3A_4 : i32 to index
      %get3A_209 = tpu.vector_load %arg4[%get3A_207, %get3A_208] {strides = array<i32>} : memref<64x64xf32, #tpu.memory_space<vmem>>, vector<1x16xf32>,
      %get3A_210 = vector.shape_cast %get3A_209 : vector<1x16xf32> to vector<16xf32>
      %max3A_211 = arith.maximumf %max3A_190, %get3A_210 : vector<16xf32>
      %min3A_212 = arith.minimumf %max3A_190, %get3A_210 : vector<16xf32>
      %max3A_213 = arith.maximumf %max3A_192, %min3A_212 : vector<16xf32>
      %min3A_214 = arith.minimumf %max3A_192, %min3A_212 : vector<16xf32>
      %max3A_215 = arith.maximumf %max3A_194, %min3A_214 : vector<16xf32>
      %min3A_216 = arith.minimumf %max3A_194, %min3A_214 : vector<16xf32>
      %max3A_217 = arith.maximumf %max3A_196, %min3A_216 : vector<16xf32>
      %min3A_218 = arith.minimumf %max3A_196, %min3A_216 : vector<16xf32>
      %max3A_219 = arith.maximumf %max3A_198, %min3A_218 : vector<16xf32>
      %min3A_220 = arith.minimumf %max3A_198, %min3A_218 : vector<16xf32>
      %max3A_221 = arith.maximumf %max3A_200, %min3A_220 : vector<16xf32>
      %min3A_222 = arith.minimumf %max3A_200, %min3A_220 : vector<16xf32>
      %max3A_223 = arith.maximumf %max3A_202, %min3A_222 : vector<16xf32>
      %min3A_224 = arith.minimumf %max3A_202, %min3A_222 : vector<16xf32>
      %max3A_225 = arith.maximumf %max3A_204, %min3A_224 : vector<16xf32>
      %min3A_226 = arith.minimumf %max3A_204, %min3A_224 : vector<16xf32>
      %get3A_227 = arith.constant 10 : i32
      %get3A_228 = arith.index_cast %get3A_227 : i32 to index
      %get3A_229 = arith.index_cast %mul3A_4 : i32 to index
      %get3A_230 = tpu.vector_load %arg4[%get3A_228, %get3A_229] {strides = array<i32>} : memref<64x64xf32, #tpu.memory_space<vmem>>, vector<1x16xf32>,
      %get3A_231 = vector.shape_cast %get3A_230 : vector<1x16xf32> to vector<16xf32>
      %max3A_232 = arith.maximumf %max3A_211, %get3A_231 : vector<16xf32>
      %min3A_233 = arith.minimumf %max3A_211, %get3A_231 : vector<16xf32>
      %max3A_234 = arith.maximumf %max3A_213, %min3A_233 : vector<16xf32>
      %min3A_235 = arith.minimumf %max3A_213, %min3A_233 : vector<16xf32>
      %max3A_236 = arith.maximumf %max3A_215, %min3A_235 : vector<16xf32>
      %min3A_237 = arith.minimumf %max3A_215, %min3A_235 : vector<16xf32>
      %max3A_238 = arith.maximumf %max3A_217, %min3A_237 : vector<16xf32>
      %min3A_239 = arith.minimumf %max3A_217, %min3A_237 : vector<16xf32>
      %max3A_240 = arith.maximumf %max3A_219, %min3A_239 : vector<16xf32>
      %min3A_241 = arith.minimumf %max3A_219, %min3A_239 : vector<16xf32>
      %max3A_242 = arith.maximumf %max3A_221, %min3A_241 : vector<16xf32>
      %min3A_243 = arith.minimumf %max3A_221, %min3A_241 : vector<16xf32>
      %max3A_244 = arith.maximumf %max3A_223, %min3A_243 : vector<16xf32>
      %min3A_245 = arith.minimumf %max3A_223, %min3A_243 : vector<16xf32>
      %max3A_246 = arith.maximumf %max3A_225, %min3A_245 : vector<16xf32>
      %min3A_247 = arith.minimumf %max3A_225, %min3A_245 : vector<16xf32>
      %get3A_248 = arith.constant 11 : i32
      %get3A_249 = arith.index_cast %get3A_248 : i32 to index
      %get3A_250 = arith.index_cast %mul3A_4 : i32 to index
      %get3A_251 = tpu.vector_load %arg4[%get3A_249, %get3A_250] {strides = array<i32>} : memref<64x64xf32, #tpu.memory_space<vmem>>, vector<1x16xf32>,
      %get3A_252 = vector.shape_cast %get3A_251 : vector<1x16xf32> to vector<16xf32>
      %max3A_253 = arith.maximumf %max3A_232, %get3A_252 : vector<16xf32>
      %min3A_254 = arith.minimumf %max3A_232, %get3A_252 : vector<16xf32>
      %max3A_255 = arith.maximumf %max3A_234, %min3A_254 : vector<16xf32>
      %min3A_256 = arith.minimumf %max3A_234, %min3A_254 : vector<16xf32>
      %max3A_257 = arith.maximumf %max3A_236, %min3A_256 : vector<16xf32>
      %min3A_258 = arith.minimumf %max3A_236, %min3A_256 : vector<16xf32>
      %max3A_259 = arith.maximumf %max3A_238, %min3A_258 : vector<16xf32>
      %min3A_260 = arith.minimumf %max3A_238, %min3A_258 : vector<16xf32>
      %max3A_261 = arith.maximumf %max3A_240, %min3A_260 : vector<16xf32>
      %min3A_262 = arith.minimumf %max3A_240, %min3A_260 : vector<16xf32>
      %max3A_263 = arith.maximumf %max3A_242, %min3A_262 : vector<16xf32>
      %min3A_264 = arith.minimumf %max3A_242, %min3A_262 : vector<16xf32>
      %max3A_265 = arith.maximumf %max3A_244, %min3A_264 : vector<16xf32>
      %min3A_266 = arith.minimumf %max3A_244, %min3A_264 : vector<16xf32>
      %max3A_267 = arith.maximumf %max3A_246, %min3A_266 : vector<16xf32>
      %min3A_268 = arith.minimumf %max3A_246, %min3A_266 : vector<16xf32>
      %get3A_269 = arith.constant 12 : i32
      %get3A_270 = arith.index_cast %get3A_269 : i32 to index
      %get3A_271 = arith.index_cast %mul3A_4 : i32 to index
      %get3A_272 = tpu.vector_load %arg4[%get3A_270, %get3A_271] {strides = array<i32>} : memref<64x64xf32, #tpu.memory_space<vmem>>, vector<1x16xf32>,
      %get3A_273 = vector.shape_cast %get3A_272 : vector<1x16xf32> to vector<16xf32>
      %max3A_274 = arith.maximumf %max3A_253, %get3A_273 : vector<16xf32>
      %min3A_275 = arith.minimumf %max3A_253, %get3A_273 : vector<16xf32>
      %max3A_276 = arith.maximumf %max3A_255, %min3A_275 : vector<16xf32>
      %min3A_277 = arith.minimumf %max3A_255, %min3A_275 : vector<16xf32>
      %max3A_278 = arith.maximumf %max3A_257, %min3A_277 : vector<16xf32>
      %min3A_279 = arith.minimumf %max3A_257, %min3A_277 : vector<16xf32>
      %max3A_280 = arith.maximumf %max3A_259, %min3A_279 : vector<16xf32>
      %min3A_281 = arith.minimumf %max3A_259, %min3A_279 : vector<16xf32>
      %max3A_282 = arith.maximumf %max3A_261, %min3A_281 : vector<16xf32>
      %min3A_283 = arith.minimumf %max3A_261, %min3A_281 : vector<16xf32>
      %max3A_284 = arith.maximumf %max3A_263, %min3A_283 : vector<16xf32>
      %min3A_285 = arith.minimumf %max3A_263, %min3A_283 : vector<16xf32>
      %max3A_286 = arith.maximumf %max3A_265, %min3A_285 : vector<16xf32>
      %min3A_287 = arith.minimumf %max3A_265, %min3A_285 : vector<16xf32>
      %max3A_288 = arith.maximumf %max3A_267, %min3A_287 : vector<16xf32>
      %min3A_289 = arith.minimumf %max3A_267, %min3A_287 : vector<16xf32>
      %get3A_290 = arith.constant 13 : i32
      %get3A_291 = arith.index_cast %get3A_290 : i32 to index
      %get3A_292 = arith.index_cast %mul3A_4 : i32 to index
      %get3A_293 = tpu.vector_load %arg4[%get3A_291, %get3A_292] {strides = array<i32>} : memref<64x64xf32, #tpu.memory_space<vmem>>, vector<1x16xf32>,
      %get3A_294 = vector.shape_cast %get3A_293 : vector<1x16xf32> to vector<16xf32>
      %max3A_295 = arith.maximumf %max3A_274, %get3A_294 : vector<16xf32>
      %min3A_296 = arith.minimumf %max3A_274, %get3A_294 : vector<16xf32>
      %max3A_297 = arith.maximumf %max3A_276, %min3A_296 : vector<16xf32>
      %min3A_298 = arith.minimumf %max3A_276, %min3A_296 : vector<16xf32>
      %max3A_299 = arith.maximumf %max3A_278, %min3A_298 : vector<16xf32>
      %min3A_300 = arith.minimumf %max3A_278, %min3A_298 : vector<16xf32>
      %max3A_301 = arith.maximumf %max3A_280, %min3A_300 : vector<16xf32>
      %min3A_302 = arith.minimumf %max3A_280, %min3A_300 : vector<16xf32>
      %max3A_303 = arith.maximumf %max3A_282, %min3A_302 : vector<16xf32>
      %min3A_304 = arith.minimumf %max3A_282, %min3A_302 : vector<16xf32>
      %max3A_305 = arith.maximumf %max3A_284, %min3A_304 : vector<16xf32>
      %min3A_306 = arith.minimumf %max3A_284, %min3A_304 : vector<16xf32>
      %max3A_307 = arith.maximumf %max3A_286, %min3A_306 : vector<16xf32>
      %min3A_308 = arith.minimumf %max3A_286, %min3A_306 : vector<16xf32>
      %max3A_309 = arith.maximumf %max3A_288, %min3A_308 : vector<16xf32>
      %min3A_310 = arith.minimumf %max3A_288, %min3A_308 : vector<16xf32>
      %get3A_311 = arith.constant 14 : i32
      %get3A_312 = arith.index_cast %get3A_311 : i32 to index
      %get3A_313 = arith.index_cast %mul3A_4 : i32 to index
      %get3A_314 = tpu.vector_load %arg4[%get3A_312, %get3A_313] {strides = array<i32>} : memref<64x64xf32, #tpu.memory_space<vmem>>, vector<1x16xf32>,
      %get3A_315 = vector.shape_cast %get3A_314 : vector<1x16xf32> to vector<16xf32>
      %max3A_316 = arith.maximumf %max3A_295, %get3A_315 : vector<16xf32>
      %min3A_317 = arith.minimumf %max3A_295, %get3A_315 : vector<16xf32>
      %max3A_318 = arith.maximumf %max3A_297, %min3A_317 : vector<16xf32>
      %min3A_319 = arith.minimumf %max3A_297, %min3A_317 : vector<16xf32>
      %max3A_320 = arith.maximumf %max3A_299, %min3A_319 : vector<16xf32>
      %min3A_321 = arith.minimumf %max3A_299, %min3A_319 : vector<16xf32>
      %max3A_322 = arith.maximumf %max3A_301, %min3A_321 : vector<16xf32>
      %min3A_323 = arith.minimumf %max3A_301, %min3A_321 : vector<16xf32>
      %max3A_324 = arith.maximumf %max3A_303, %min3A_323 : vector<16xf32>
      %min3A_325 = arith.minimumf %max3A_303, %min3A_323 : vector<16xf32>
      %max3A_326 = arith.maximumf %max3A_305, %min3A_325 : vector<16xf32>
      %min3A_327 = arith.minimumf %max3A_305, %min3A_325 : vector<16xf32>
      %max3A_328 = arith.maximumf %max3A_307, %min3A_327 : vector<16xf32>
      %min3A_329 = arith.minimumf %max3A_307, %min3A_327 : vector<16xf32>
      %max3A_330 = arith.maximumf %max3A_309, %min3A_329 : vector<16xf32>
      %min3A_331 = arith.minimumf %max3A_309, %min3A_329 : vector<16xf32>
      %get3A_332 = arith.constant 15 : i32
      %get3A_333 = arith.index_cast %get3A_332 : i32 to index
      %get3A_334 = arith.index_cast %mul3A_4 : i32 to index
      %get3A_335 = tpu.vector_load %arg4[%get3A_333, %get3A_334] {strides = array<i32>} : memref<64x64xf32, #tpu.memory_space<vmem>>, vector<1x16xf32>,
      %get3A_336 = vector.shape_cast %get3A_335 : vector<1x16xf32> to vector<16xf32>
      %max3A_337 = arith.maximumf %max3A_316, %get3A_336 : vector<16xf32>
      %min3A_338 = arith.minimumf %max3A_316, %get3A_336 : vector<16xf32>
      %max3A_339 = arith.maximumf %max3A_318, %min3A_338 : vector<16xf32>
      %min3A_340 = arith.minimumf %max3A_318, %min3A_338 : vector<16xf32>
      %max3A_341 = arith.maximumf %max3A_320, %min3A_340 : vector<16xf32>
      %min3A_342 = arith.minimumf %max3A_320, %min3A_340 : vector<16xf32>
      %max3A_343 = arith.maximumf %max3A_322, %min3A_342 : vector<16xf32>
      %min3A_344 = arith.minimumf %max3A_322, %min3A_342 : vector<16xf32>
      %max3A_345 = arith.maximumf %max3A_324, %min3A_344 : vector<16xf32>
      %min3A_346 = arith.minimumf %max3A_324, %min3A_344 : vector<16xf32>
      %max3A_347 = arith.maximumf %max3A_326, %min3A_346 : vector<16xf32>
      %min3A_348 = arith.minimumf %max3A_326, %min3A_346 : vector<16xf32>
      %max3A_349 = arith.maximumf %max3A_328, %min3A_348 : vector<16xf32>
      %min3A_350 = arith.minimumf %max3A_328, %min3A_348 : vector<16xf32>
      %max3A_351 = arith.maximumf %max3A_330, %min3A_350 : vector<16xf32>
      %min3A_352 = arith.minimumf %max3A_330, %min3A_350 : vector<16xf32>
      %get3A_353 = arith.constant 16 : i32
      %get3A_354 = arith.index_cast %get3A_353 : i32 to index
      %get3A_355 = arith.index_cast %mul3A_4 : i32 to index
      %get3A_356 = tpu.vector_load %arg4[%get3A_354, %get3A_355] {strides = array<i32>} : memref<64x64xf32, #tpu.memory_space<vmem>>, vector<1x16xf32>,
      %get3A_357 = vector.shape_cast %get3A_356 : vector<1x16xf32> to vector<16xf32>
      %max3A_358 = arith.maximumf %max3A_337, %get3A_357 : vector<16xf32>
      %min3A_359 = arith.minimumf %max3A_337, %get3A_357 : vector<16xf32>
      %max3A_360 = arith.maximumf %max3A_339, %min3A_359 : vector<16xf32>
      %min3A_361 = arith.minimumf %max3A_339, %min3A_359 : vector<16xf32>
      %max3A_362 = arith.maximumf %max3A_341, %min3A_361 : vector<16xf32>
      %min3A_363 = arith.minimumf %max3A_341, %min3A_361 : vector<16xf32>
      %max3A_364 = arith.maximumf %max3A_343, %min3A_363 : vector<16xf32>
      %min3A_365 = arith.minimumf %max3A_343, %min3A_363 : vector<16xf32>
      %max3A_366 = arith.maximumf %max3A_345, %min3A_365 : vector<16xf32>
      %min3A_367 = arith.minimumf %max3A_345, %min3A_365 : vector<16xf32>
      %max3A_368 = arith.maximumf %max3A_347, %min3A_367 : vector<16xf32>
      %min3A_369 = arith.minimumf %max3A_347, %min3A_367 : vector<16xf32>
      %max3A_370 = arith.maximumf %max3A_349, %min3A_369 : vector<16xf32>
      %min3A_371 = arith.minimumf %max3A_349, %min3A_369 : vector<16xf32>
      %max3A_372 = arith.maximumf %max3A_351, %min3A_371 : vector<16xf32>
      %min3A_373 = arith.minimumf %max3A_351, %min3A_371 : vector<16xf32>
      %get3A_374 = arith.constant 17 : i32
      %get3A_375 = arith.index_cast %get3A_374 : i32 to index
      %get3A_376 = arith.index_cast %mul3A_4 : i32 to index
      %get3A_377 = tpu.vector_load %arg4[%get3A_375, %get3A_376] {strides = array<i32>} : memref<64x64xf32, #tpu.memory_space<vmem>>, vector<1x16xf32>,
      %get3A_378 = vector.shape_cast %get3A_377 : vector<1x16xf32> to vector<16xf32>
      %max3A_379 = arith.maximumf %max3A_358, %get3A_378 : vector<16xf32>
      %min3A_380 = arith.minimumf %max3A_358, %get3A_378 : vector<16xf32>
      %max3A_381 = arith.maximumf %max3A_360, %min3A_380 : vector<16xf32>
      %min3A_382 = arith.minimumf %max3A_360, %min3A_380 : vector<16xf32>
      %max3A_383 = arith.maximumf %max3A_362, %min3A_382 : vector<16xf32>
      %min3A_384 = arith.minimumf %max3A_362, %min3A_382 : vector<16xf32>
      %max3A_385 = arith.maximumf %max3A_364, %min3A_384 : vector<16xf32>
      %min3A_386 = arith.minimumf %max3A_364, %min3A_384 : vector<16xf32>
      %max3A_387 = arith.maximumf %max3A_366, %min3A_386 : vector<16xf32>
      %min3A_388 = arith.minimumf %max3A_366, %min3A_386 : vector<16xf32>
      %max3A_389 = arith.maximumf %max3A_368, %min3A_388 : vector<16xf32>
      %min3A_390 = arith.minimumf %max3A_368, %min3A_388 : vector<16xf32>
      %max3A_391 = arith.maximumf %max3A_370, %min3A_390 : vector<16xf32>
      %min3A_392 = arith.minimumf %max3A_370, %min3A_390 : vector<16xf32>
      %max3A_393 = arith.maximumf %max3A_372, %min3A_392 : vector<16xf32>
      %min3A_394 = arith.minimumf %max3A_372, %min3A_392 : vector<16xf32>
      %get3A_395 = arith.constant 18 : i32
      %get3A_396 = arith.index_cast %get3A_395 : i32 to index
      %get3A_397 = arith.index_cast %mul3A_4 : i32 to index
      %get3A_398 = tpu.vector_load %arg4[%get3A_396, %get3A_397] {strides = array<i32>} : memref<64x64xf32, #tpu.memory_space<vmem>>, vector<1x16xf32>,
      %get3A_399 = vector.shape_cast %get3A_398 : vector<1x16xf32> to vector<16xf32>
      %max3A_400 = arith.maximumf %max3A_379, %get3A_399 : vector<16xf32>
      %min3A_401 = arith.minimumf %max3A_379, %get3A_399 : vector<16xf32>
      %max3A_402 = arith.maximumf %max3A_381, %min3A_401 : vector<16xf32>
      %min3A_403 = arith.minimumf %max3A_381, %min3A_401 : vector<16xf32>
      %max3A_404 = arith.maximumf %max3A_383, %min3A_403 : vector<16xf32>
      %min3A_405 = arith.minimumf %max3A_383, %min3A_403 : vector<16xf32>
      %max3A_406 = arith.maximumf %max3A_385, %min3A_405 : vector<16xf32>
      %min3A_407 = arith.minimumf %max3A_385, %min3A_405 : vector<16xf32>
      %max3A_408 = arith.maximumf %max3A_387, %min3A_407 : vector<16xf32>
      %min3A_409 = arith.minimumf %max3A_387, %min3A_407 : vector<16xf32>
      %max3A_410 = arith.maximumf %max3A_389, %min3A_409 : vector<16xf32>
      %min3A_411 = arith.minimumf %max3A_389, %min3A_409 : vector<16xf32>
      %max3A_412 = arith.maximumf %max3A_391, %min3A_411 : vector<16xf32>
      %min3A_413 = arith.minimumf %max3A_391, %min3A_411 : vector<16xf32>
      %max3A_414 = arith.maximumf %max3A_393, %min3A_413 : vector<16xf32>
      %min3A_415 = arith.minimumf %max3A_393, %min3A_413 : vector<16xf32>
      %get3A_416 = arith.constant 19 : i32
      %get3A_417 = arith.index_cast %get3A_416 : i32 to index
      %get3A_418 = arith.index_cast %mul3A_4 : i32 to index
      %get3A_419 = tpu.vector_load %arg4[%get3A_417, %get3A_418] {strides = array<i32>} : memref<64x64xf32, #tpu.memory_space<vmem>>, vector<1x16xf32>,
      %get3A_420 = vector.shape_cast %get3A_419 : vector<1x16xf32> to vector<16xf32>
      %max3A_421 = arith.maximumf %max3A_400, %get3A_420 : vector<16xf32>
      %min3A_422 = arith.minimumf %max3A_400, %get3A_420 : vector<16xf32>
      %max3A_423 = arith.maximumf %max3A_402, %min3A_422 : vector<16xf32>
      %min3A_424 = arith.minimumf %max3A_402, %min3A_422 : vector<16xf32>
      %max3A_425 = arith.maximumf %max3A_404, %min3A_424 : vector<16xf32>
      %min3A_426 = arith.minimumf %max3A_404, %min3A_424 : vector<16xf32>
      %max3A_427 = arith.maximumf %max3A_406, %min3A_426 : vector<16xf32>
      %min3A_428 = arith.minimumf %max3A_406, %min3A_426 : vector<16xf32>
      %max3A_429 = arith.maximumf %max3A_408, %min3A_428 : vector<16xf32>
      %min3A_430 = arith.minimumf %max3A_408, %min3A_428 : vector<16xf32>
      %max3A_431 = arith.maximumf %max3A_410, %min3A_430 : vector<16xf32>
      %min3A_432 = arith.minimumf %max3A_410, %min3A_430 : vector<16xf32>
      %max3A_433 = arith.maximumf %max3A_412, %min3A_432 : vector<16xf32>
      %min3A_434 = arith.minimumf %max3A_412, %min3A_432 : vector<16xf32>
      %max3A_435 = arith.maximumf %max3A_414, %min3A_434 : vector<16xf32>
      %min3A_436 = arith.minimumf %max3A_414, %min3A_434 : vector<16xf32>
      %get3A_437 = arith.constant 20 : i32
      %get3A_438 = arith.index_cast %get3A_437 : i32 to index
      %get3A_439 = arith.index_cast %mul3A_4 : i32 to index
      %get3A_440 = tpu.vector_load %arg4[%get3A_438, %get3A_439] {strides = array<i32>} : memref<64x64xf32, #tpu.memory_space<vmem>>, vector<1x16xf32>,
      %get3A_441 = vector.shape_cast %get3A_440 : vector<1x16xf32> to vector<16xf32>
      %max3A_442 = arith.maximumf %max3A_421, %get3A_441 : vector<16xf32>
      %min3A_443 = arith.minimumf %max3A_421, %get3A_441 : vector<16xf32>
      %max3A_444 = arith.maximumf %max3A_423, %min3A_443 : vector<16xf32>
      %min3A_445 = arith.minimumf %max3A_423, %min3A_443 : vector<16xf32>
      %max3A_446 = arith.maximumf %max3A_425, %min3A_445 : vector<16xf32>
      %min3A_447 = arith.minimumf %max3A_425, %min3A_445 : vector<16xf32>
      %max3A_448 = arith.maximumf %max3A_427, %min3A_447 : vector<16xf32>
      %min3A_449 = arith.minimumf %max3A_427, %min3A_447 : vector<16xf32>
      %max3A_450 = arith.maximumf %max3A_429, %min3A_449 : vector<16xf32>
      %min3A_451 = arith.minimumf %max3A_429, %min3A_449 : vector<16xf32>
      %max3A_452 = arith.maximumf %max3A_431, %min3A_451 : vector<16xf32>
      %min3A_453 = arith.minimumf %max3A_431, %min3A_451 : vector<16xf32>
      %max3A_454 = arith.maximumf %max3A_433, %min3A_453 : vector<16xf32>
      %min3A_455 = arith.minimumf %max3A_433, %min3A_453 : vector<16xf32>
      %max3A_456 = arith.maximumf %max3A_435, %min3A_455 : vector<16xf32>
      %min3A_457 = arith.minimumf %max3A_435, %min3A_455 : vector<16xf32>
      %get3A_458 = arith.constant 21 : i32
      %get3A_459 = arith.index_cast %get3A_458 : i32 to index
      %get3A_460 = arith.index_cast %mul3A_4 : i32 to index
      %get3A_461 = tpu.vector_load %arg4[%get3A_459, %get3A_460] {strides = array<i32>} : memref<64x64xf32, #tpu.memory_space<vmem>>, vector<1x16xf32>,
      %get3A_462 = vector.shape_cast %get3A_461 : vector<1x16xf32> to vector<16xf32>
      %max3A_463 = arith.maximumf %max3A_442, %get3A_462 : vector<16xf32>
      %min3A_464 = arith.minimumf %max3A_442, %get3A_462 : vector<16xf32>
      %max3A_465 = arith.maximumf %max3A_444, %min3A_464 : vector<16xf32>
      %min3A_466 = arith.minimumf %max3A_444, %min3A_464 : vector<16xf32>
      %max3A_467 = arith.maximumf %max3A_446, %min3A_466 : vector<16xf32>
      %min3A_468 = arith.minimumf %max3A_446, %min3A_466 : vector<16xf32>
      %max3A_469 = arith.maximumf %max3A_448, %min3A_468 : vector<16xf32>
      %min3A_470 = arith.minimumf %max3A_448, %min3A_468 : vector<16xf32>
      %max3A_471 = arith.maximumf %max3A_450, %min3A_470 : vector<16xf32>
      %min3A_472 = arith.minimumf %max3A_450, %min3A_470 : vector<16xf32>
      %max3A_473 = arith.maximumf %max3A_452, %min3A_472 : vector<16xf32>
      %min3A_474 = arith.minimumf %max3A_452, %min3A_472 : vector<16xf32>
      %max3A_475 = arith.maximumf %max3A_454, %min3A_474 : vector<16xf32>
      %min3A_476 = arith.minimumf %max3A_454, %min3A_474 : vector<16xf32>
      %max3A_477 = arith.maximumf %max3A_456, %min3A_476 : vector<16xf32>
      %min3A_478 = arith.minimumf %max3A_456, %min3A_476 : vector<16xf32>
      %get3A_479 = arith.constant 22 : i32
      %get3A_480 = arith.index_cast %get3A_479 : i32 to index
      %get3A_481 = arith.index_cast %mul3A_4 : i32 to index
      %get3A_482 = tpu.vector_load %arg4[%get3A_480, %get3A_481] {strides = array<i32>} : memref<64x64xf32, #tpu.memory_space<vmem>>, vector<1x16xf32>,
      %get3A_483 = vector.shape_cast %get3A_482 : vector<1x16xf32> to vector<16xf32>
      %max3A_484 = arith.maximumf %max3A_463, %get3A_483 : vector<16xf32>
      %min3A_485 = arith.minimumf %max3A_463, %get3A_483 : vector<16xf32>
      %max3A_486 = arith.maximumf %max3A_465, %min3A_485 : vector<16xf32>
      %min3A_487 = arith.minimumf %max3A_465, %min3A_485 : vector<16xf32>
      %max3A_488 = arith.maximumf %max3A_467, %min3A_487 : vector<16xf32>
      %min3A_489 = arith.minimumf %max3A_467, %min3A_487 : vector<16xf32>
      %max3A_490 = arith.maximumf %max3A_469, %min3A_489 : vector<16xf32>
      %min3A_491 = arith.minimumf %max3A_469, %min3A_489 : vector<16xf32>
      %max3A_492 = arith.maximumf %max3A_471, %min3A_491 : vector<16xf32>
      %min3A_493 = arith.minimumf %max3A_471, %min3A_491 : vector<16xf32>
      %max3A_494 = arith.maximumf %max3A_473, %min3A_493 : vector<16xf32>
      %min3A_495 = arith.minimumf %max3A_473, %min3A_493 : vector<16xf32>
      %max3A_496 = arith.maximumf %max3A_475, %min3A_495 : vector<16xf32>
      %min3A_497 = arith.minimumf %max3A_475, %min3A_495 : vector<16xf32>
      %max3A_498 = arith.maximumf %max3A_477, %min3A_497 : vector<16xf32>
      %min3A_499 = arith.minimumf %max3A_477, %min3A_497 : vector<16xf32>
      %get3A_500 = arith.constant 23 : i32
      %get3A_501 = arith.index_cast %get3A_500 : i32 to index
      %get3A_502 = arith.index_cast %mul3A_4 : i32 to index
      %get3A_503 = tpu.vector_load %arg4[%get3A_501, %get3A_502] {strides = array<i32>} : memref<64x64xf32, #tpu.memory_space<vmem>>, vector<1x16xf32>,
      %get3A_504 = vector.shape_cast %get3A_503 : vector<1x16xf32> to vector<16xf32>
      %max3A_505 = arith.maximumf %max3A_484, %get3A_504 : vector<16xf32>
      %min3A_506 = arith.minimumf %max3A_484, %get3A_504 : vector<16xf32>
      %max3A_507 = arith.maximumf %max3A_486, %min3A_506 : vector<16xf32>
      %min3A_508 = arith.minimumf %max3A_486, %min3A_506 : vector<16xf32>
      %max3A_509 = arith.maximumf %max3A_488, %min3A_508 : vector<16xf32>
      %min3A_510 = arith.minimumf %max3A_488, %min3A_508 : vector<16xf32>
      %max3A_511 = arith.maximumf %max3A_490, %min3A_510 : vector<16xf32>
      %min3A_512 = arith.minimumf %max3A_490, %min3A_510 : vector<16xf32>
      %max3A_513 = arith.maximumf %max3A_492, %min3A_512 : vector<16xf32>
      %min3A_514 = arith.minimumf %max3A_492, %min3A_512 : vector<16xf32>
      %max3A_515 = arith.maximumf %max3A_494, %min3A_514 : vector<16xf32>
      %min3A_516 = arith.minimumf %max3A_494, %min3A_514 : vector<16xf32>
      %max3A_517 = arith.maximumf %max3A_496, %min3A_516 : vector<16xf32>
      %min3A_518 = arith.minimumf %max3A_496, %min3A_516 : vector<16xf32>
      %max3A_519 = arith.maximumf %max3A_498, %min3A_518 : vector<16xf32>
      %min3A_520 = arith.minimumf %max3A_498, %min3A_518 : vector<16xf32>
      %get3A_521 = arith.constant 24 : i32
      %get3A_522 = arith.index_cast %get3A_521 : i32 to index
      %get3A_523 = arith.index_cast %mul3A_4 : i32 to index
      %get3A_524 = tpu.vector_load %arg4[%get3A_522, %get3A_523] {strides = array<i32>} : memref<64x64xf32, #tpu.memory_space<vmem>>, vector<1x16xf32>,
      %get3A_525 = vector.shape_cast %get3A_524 : vector<1x16xf32> to vector<16xf32>
      %max3A_526 = arith.maximumf %max3A_505, %get3A_525 : vector<16xf32>
      %min3A_527 = arith.minimumf %max3A_505, %get3A_525 : vector<16xf32>
      %max3A_528 = arith.maximumf %max3A_507, %min3A_527 : vector<16xf32>
      %min3A_529 = arith.minimumf %max3A_507, %min3A_527 : vector<16xf32>
      %max3A_530 = arith.maximumf %max3A_509, %min3A_529 : vector<16xf32>
      %min3A_531 = arith.minimumf %max3A_509, %min3A_529 : vector<16xf32>
      %max3A_532 = arith.maximumf %max3A_511, %min3A_531 : vector<16xf32>
      %min3A_533 = arith.minimumf %max3A_511, %min3A_531 : vector<16xf32>
      %max3A_534 = arith.maximumf %max3A_513, %min3A_533 : vector<16xf32>
      %min3A_535 = arith.minimumf %max3A_513, %min3A_533 : vector<16xf32>
      %max3A_536 = arith.maximumf %max3A_515, %min3A_535 : vector<16xf32>
      %min3A_537 = arith.minimumf %max3A_515, %min3A_535 : vector<16xf32>
      %max3A_538 = arith.maximumf %max3A_517, %min3A_537 : vector<16xf32>
      %min3A_539 = arith.minimumf %max3A_517, %min3A_537 : vector<16xf32>
      %max3A_540 = arith.maximumf %max3A_519, %min3A_539 : vector<16xf32>
      %min3A_541 = arith.minimumf %max3A_519, %min3A_539 : vector<16xf32>
      %get3A_542 = arith.constant 25 : i32
      %get3A_543 = arith.index_cast %get3A_542 : i32 to index
      %get3A_544 = arith.index_cast %mul3A_4 : i32 to index
      %get3A_545 = tpu.vector_load %arg4[%get3A_543, %get3A_544] {strides = array<i32>} : memref<64x64xf32, #tpu.memory_space<vmem>>, vector<1x16xf32>,
      %get3A_546 = vector.shape_cast %get3A_545 : vector<1x16xf32> to vector<16xf32>
      %max3A_547 = arith.maximumf %max3A_526, %get3A_546 : vector<16xf32>
      %min3A_548 = arith.minimumf %max3A_526, %get3A_546 : vector<16xf32>
      %max3A_549 = arith.maximumf %max3A_528, %min3A_548 : vector<16xf32>
      %min3A_550 = arith.minimumf %max3A_528, %min3A_548 : vector<16xf32>
      %max3A_551 = arith.maximumf %max3A_530, %min3A_550 : vector<16xf32>
      %min3A_552 = arith.minimumf %max3A_530, %min3A_550 : vector<16xf32>
      %max3A_553 = arith.maximumf %max3A_532, %min3A_552 : vector<16xf32>
      %min3A_554 = arith.minimumf %max3A_532, %min3A_552 : vector<16xf32>
      %max3A_555 = arith.maximumf %max3A_534, %min3A_554 : vector<16xf32>
      %min3A_556 = arith.minimumf %max3A_534, %min3A_554 : vector<16xf32>
      %max3A_557 = arith.maximumf %max3A_536, %min3A_556 : vector<16xf32>
      %min3A_558 = arith.minimumf %max3A_536, %min3A_556 : vector<16xf32>
      %max3A_559 = arith.maximumf %max3A_538, %min3A_558 : vector<16xf32>
      %min3A_560 = arith.minimumf %max3A_538, %min3A_558 : vector<16xf32>
      %max3A_561 = arith.maximumf %max3A_540, %min3A_560 : vector<16xf32>
      %min3A_562 = arith.minimumf %max3A_540, %min3A_560 : vector<16xf32>
      %get3A_563 = arith.constant 26 : i32
      %get3A_564 = arith.index_cast %get3A_563 : i32 to index
      %get3A_565 = arith.index_cast %mul3A_4 : i32 to index
      %get3A_566 = tpu.vector_load %arg4[%get3A_564, %get3A_565] {strides = array<i32>} : memref<64x64xf32, #tpu.memory_space<vmem>>, vector<1x16xf32>,
      %get3A_567 = vector.shape_cast %get3A_566 : vector<1x16xf32> to vector<16xf32>
      %max3A_568 = arith.maximumf %max3A_547, %get3A_567 : vector<16xf32>
      %min3A_569 = arith.minimumf %max3A_547, %get3A_567 : vector<16xf32>
      %max3A_570 = arith.maximumf %max3A_549, %min3A_569 : vector<16xf32>
      %min3A_571 = arith.minimumf %max3A_549, %min3A_569 : vector<16xf32>
      %max3A_572 = arith.maximumf %max3A_551, %min3A_571 : vector<16xf32>
      %min3A_573 = arith.minimumf %max3A_551, %min3A_571 : vector<16xf32>
      %max3A_574 = arith.maximumf %max3A_553, %min3A_573 : vector<16xf32>
      %min3A_575 = arith.minimumf %max3A_553, %min3A_573 : vector<16xf32>
      %max3A_576 = arith.maximumf %max3A_555, %min3A_575 : vector<16xf32>
      %min3A_577 = arith.minimumf %max3A_555, %min3A_575 : vector<16xf32>
      %max3A_578 = arith.maximumf %max3A_557, %min3A_577 : vector<16xf32>
      %min3A_579 = arith.minimumf %max3A_557, %min3A_577 : vector<16xf32>
      %max3A_580 = arith.maximumf %max3A_559, %min3A_579 : vector<16xf32>
      %min3A_581 = arith.minimumf %max3A_559, %min3A_579 : vector<16xf32>
      %max3A_582 = arith.maximumf %max3A_561, %min3A_581 : vector<16xf32>
      %min3A_583 = arith.minimumf %max3A_561, %min3A_581 : vector<16xf32>
      %get3A_584 = arith.constant 27 : i32
      %get3A_585 = arith.index_cast %get3A_584 : i32 to index
      %get3A_586 = arith.index_cast %mul3A_4 : i32 to index
      %get3A_587 = tpu.vector_load %arg4[%get3A_585, %get3A_586] {strides = array<i32>} : memref<64x64xf32, #tpu.memory_space<vmem>>, vector<1x16xf32>,
      %get3A_588 = vector.shape_cast %get3A_587 : vector<1x16xf32> to vector<16xf32>
      %max3A_589 = arith.maximumf %max3A_568, %get3A_588 : vector<16xf32>
      %min3A_590 = arith.minimumf %max3A_568, %get3A_588 : vector<16xf32>
      %max3A_591 = arith.maximumf %max3A_570, %min3A_590 : vector<16xf32>
      %min3A_592 = arith.minimumf %max3A_570, %min3A_590 : vector<16xf32>
      %max3A_593 = arith.maximumf %max3A_572, %min3A_592 : vector<16xf32>
      %min3A_594 = arith.minimumf %max3A_572, %min3A_592 : vector<16xf32>
      %max3A_595 = arith.maximumf %max3A_574, %min3A_594 : vector<16xf32>
      %min3A_596 = arith.minimumf %max3A_574, %min3A_594 : vector<16xf32>
      %max3A_597 = arith.maximumf %max3A_576, %min3A_596 : vector<16xf32>
      %min3A_598 = arith.minimumf %max3A_576, %min3A_596 : vector<16xf32>
      %max3A_599 = arith.maximumf %max3A_578, %min3A_598 : vector<16xf32>
      %min3A_600 = arith.minimumf %max3A_578, %min3A_598 : vector<16xf32>
      %max3A_601 = arith.maximumf %max3A_580, %min3A_600 : vector<16xf32>
      %min3A_602 = arith.minimumf %max3A_580, %min3A_600 : vector<16xf32>
      %max3A_603 = arith.maximumf %max3A_582, %min3A_602 : vector<16xf32>
      %min3A_604 = arith.minimumf %max3A_582, %min3A_602 : vector<16xf32>
      %get3A_605 = arith.constant 28 : i32
      %get3A_606 = arith.index_cast %get3A_605 : i32 to index
      %get3A_607 = arith.index_cast %mul3A_4 : i32 to index
      %get3A_608 = tpu.vector_load %arg4[%get3A_606, %get3A_607] {strides = array<i32>} : memref<64x64xf32, #tpu.memory_space<vmem>>, vector<1x16xf32>,
      %get3A_609 = vector.shape_cast %get3A_608 : vector<1x16xf32> to vector<16xf32>
      %max3A_610 = arith.maximumf %max3A_589, %get3A_609 : vector<16xf32>
      %min3A_611 = arith.minimumf %max3A_589, %get3A_609 : vector<16xf32>
      %max3A_612 = arith.maximumf %max3A_591, %min3A_611 : vector<16xf32>
      %min3A_613 = arith.minimumf %max3A_591, %min3A_611 : vector<16xf32>
      %max3A_614 = arith.maximumf %max3A_593, %min3A_613 : vector<16xf32>
      %min3A_615 = arith.minimumf %max3A_593, %min3A_613 : vector<16xf32>
      %max3A_616 = arith.maximumf %max3A_595, %min3A_615 : vector<16xf32>
      %min3A_617 = arith.minimumf %max3A_595, %min3A_615 : vector<16xf32>
      %max3A_618 = arith.maximumf %max3A_597, %min3A_617 : vector<16xf32>
      %min3A_619 = arith.minimumf %max3A_597, %min3A_617 : vector<16xf32>
      %max3A_620 = arith.maximumf %max3A_599, %min3A_619 : vector<16xf32>
      %min3A_621 = arith.minimumf %max3A_599, %min3A_619 : vector<16xf32>
      %max3A_622 = arith.maximumf %max3A_601, %min3A_621 : vector<16xf32>
      %min3A_623 = arith.minimumf %max3A_601, %min3A_621 : vector<16xf32>
      %max3A_624 = arith.maximumf %max3A_603, %min3A_623 : vector<16xf32>
      %min3A_625 = arith.minimumf %max3A_603, %min3A_623 : vector<16xf32>
      %get3A_626 = arith.constant 29 : i32
      %get3A_627 = arith.index_cast %get3A_626 : i32 to index
      %get3A_628 = arith.index_cast %mul3A_4 : i32 to index
      %get3A_629 = tpu.vector_load %arg4[%get3A_627, %get3A_628] {strides = array<i32>} : memref<64x64xf32, #tpu.memory_space<vmem>>, vector<1x16xf32>,
      %get3A_630 = vector.shape_cast %get3A_629 : vector<1x16xf32> to vector<16xf32>
      %max3A_631 = arith.maximumf %max3A_610, %get3A_630 : vector<16xf32>
      %min3A_632 = arith.minimumf %max3A_610, %get3A_630 : vector<16xf32>
      %max3A_633 = arith.maximumf %max3A_612, %min3A_632 : vector<16xf32>
      %min3A_634 = arith.minimumf %max3A_612, %min3A_632 : vector<16xf32>
      %max3A_635 = arith.maximumf %max3A_614, %min3A_634 : vector<16xf32>
      %min3A_636 = arith.minimumf %max3A_614, %min3A_634 : vector<16xf32>
      %max3A_637 = arith.maximumf %max3A_616, %min3A_636 : vector<16xf32>
      %min3A_638 = arith.minimumf %max3A_616, %min3A_636 : vector<16xf32>
      %max3A_639 = arith.maximumf %max3A_618, %min3A_638 : vector<16xf32>
      %min3A_640 = arith.minimumf %max3A_618, %min3A_638 : vector<16xf32>
      %max3A_641 = arith.maximumf %max3A_620, %min3A_640 : vector<16xf32>
      %min3A_642 = arith.minimumf %max3A_620, %min3A_640 : vector<16xf32>
      %max3A_643 = arith.maximumf %max3A_622, %min3A_642 : vector<16xf32>
      %min3A_644 = arith.minimumf %max3A_622, %min3A_642 : vector<16xf32>
      %max3A_645 = arith.maximumf %max3A_624, %min3A_644 : vector<16xf32>
      %min3A_646 = arith.minimumf %max3A_624, %min3A_644 : vector<16xf32>
      %get3A_647 = arith.constant 30 : i32
      %get3A_648 = arith.index_cast %get3A_647 : i32 to index
      %get3A_649 = arith.index_cast %mul3A_4 : i32 to index
      %get3A_650 = tpu.vector_load %arg4[%get3A_648, %get3A_649] {strides = array<i32>} : memref<64x64xf32, #tpu.memory_space<vmem>>, vector<1x16xf32>,
      %get3A_651 = vector.shape_cast %get3A_650 : vector<1x16xf32> to vector<16xf32>
      %max3A_652 = arith.maximumf %max3A_631, %get3A_651 : vector<16xf32>
      %min3A_653 = arith.minimumf %max3A_631, %get3A_651 : vector<16xf32>
      %max3A_654 = arith.maximumf %max3A_633, %min3A_653 : vector<16xf32>
      %min3A_655 = arith.minimumf %max3A_633, %min3A_653 : vector<16xf32>
      %max3A_656 = arith.maximumf %max3A_635, %min3A_655 : vector<16xf32>
      %min3A_657 = arith.minimumf %max3A_635, %min3A_655 : vector<16xf32>
      %max3A_658 = arith.maximumf %max3A_637, %min3A_657 : vector<16xf32>
      %min3A_659 = arith.minimumf %max3A_637, %min3A_657 : vector<16xf32>
      %max3A_660 = arith.maximumf %max3A_639, %min3A_659 : vector<16xf32>
      %min3A_661 = arith.minimumf %max3A_639, %min3A_659 : vector<16xf32>
      %max3A_662 = arith.maximumf %max3A_641, %min3A_661 : vector<16xf32>
      %min3A_663 = arith.minimumf %max3A_641, %min3A_661 : vector<16xf32>
      %max3A_664 = arith.maximumf %max3A_643, %min3A_663 : vector<16xf32>
      %min3A_665 = arith.minimumf %max3A_643, %min3A_663 : vector<16xf32>
      %max3A_666 = arith.maximumf %max3A_645, %min3A_665 : vector<16xf32>
      %min3A_667 = arith.minimumf %max3A_645, %min3A_665 : vector<16xf32>
      %get3A_668 = arith.constant 31 : i32
      %get3A_669 = arith.index_cast %get3A_668 : i32 to index
      %get3A_670 = arith.index_cast %mul3A_4 : i32 to index
      %get3A_671 = tpu.vector_load %arg4[%get3A_669, %get3A_670] {strides = array<i32>} : memref<64x64xf32, #tpu.memory_space<vmem>>, vector<1x16xf32>,
      %get3A_672 = vector.shape_cast %get3A_671 : vector<1x16xf32> to vector<16xf32>
      %max3A_673 = arith.maximumf %max3A_652, %get3A_672 : vector<16xf32>
      %min3A_674 = arith.minimumf %max3A_652, %get3A_672 : vector<16xf32>
      %max3A_675 = arith.maximumf %max3A_654, %min3A_674 : vector<16xf32>
      %min3A_676 = arith.minimumf %max3A_654, %min3A_674 : vector<16xf32>
      %max3A_677 = arith.maximumf %max3A_656, %min3A_676 : vector<16xf32>
      %min3A_678 = arith.minimumf %max3A_656, %min3A_676 : vector<16xf32>
      %max3A_679 = arith.maximumf %max3A_658, %min3A_678 : vector<16xf32>
      %min3A_680 = arith.minimumf %max3A_658, %min3A_678 : vector<16xf32>
      %max3A_681 = arith.maximumf %max3A_660, %min3A_680 : vector<16xf32>
      %min3A_682 = arith.minimumf %max3A_660, %min3A_680 : vector<16xf32>
      %max3A_683 = arith.maximumf %max3A_662, %min3A_682 : vector<16xf32>
      %min3A_684 = arith.minimumf %max3A_662, %min3A_682 : vector<16xf32>
      %max3A_685 = arith.maximumf %max3A_664, %min3A_684 : vector<16xf32>
      %min3A_686 = arith.minimumf %max3A_664, %min3A_684 : vector<16xf32>
      %max3A_687 = arith.maximumf %max3A_666, %min3A_686 : vector<16xf32>
      %min3A_688 = arith.minimumf %max3A_666, %min3A_686 : vector<16xf32>
      %get3A_689 = arith.constant 32 : i32
      %get3A_690 = arith.index_cast %get3A_689 : i32 to index
      %get3A_691 = arith.index_cast %mul3A_4 : i32 to index
      %get3A_692 = tpu.vector_load %arg4[%get3A_690, %get3A_691] {strides = array<i32>} : memref<64x64xf32, #tpu.memory_space<vmem>>, vector<1x16xf32>,
      %get3A_693 = vector.shape_cast %get3A_692 : vector<1x16xf32> to vector<16xf32>
      %max3A_694 = arith.maximumf %max3A_673, %get3A_693 : vector<16xf32>
      %min3A_695 = arith.minimumf %max3A_673, %get3A_693 : vector<16xf32>
      %max3A_696 = arith.maximumf %max3A_675, %min3A_695 : vector<16xf32>
      %min3A_697 = arith.minimumf %max3A_675, %min3A_695 : vector<16xf32>
      %max3A_698 = arith.maximumf %max3A_677, %min3A_697 : vector<16xf32>
      %min3A_699 = arith.minimumf %max3A_677, %min3A_697 : vector<16xf32>
      %max3A_700 = arith.maximumf %max3A_679, %min3A_699 : vector<16xf32>
      %min3A_701 = arith.minimumf %max3A_679, %min3A_699 : vector<16xf32>
      %max3A_702 = arith.maximumf %max3A_681, %min3A_701 : vector<16xf32>
      %min3A_703 = arith.minimumf %max3A_681, %min3A_701 : vector<16xf32>
      %max3A_704 = arith.maximumf %max3A_683, %min3A_703 : vector<16xf32>
      %min3A_705 = arith.minimumf %max3A_683, %min3A_703 : vector<16xf32>
      %max3A_706 = arith.maximumf %max3A_685, %min3A_705 : vector<16xf32>
      %min3A_707 = arith.minimumf %max3A_685, %min3A_705 : vector<16xf32>
      %max3A_708 = arith.maximumf %max3A_687, %min3A_707 : vector<16xf32>
      %min3A_709 = arith.minimumf %max3A_687, %min3A_707 : vector<16xf32>
      %get3A_710 = arith.constant 33 : i32
      %get3A_711 = arith.index_cast %get3A_710 : i32 to index
      %get3A_712 = arith.index_cast %mul3A_4 : i32 to index
      %get3A_713 = tpu.vector_load %arg4[%get3A_711, %get3A_712] {strides = array<i32>} : memref<64x64xf32, #tpu.memory_space<vmem>>, vector<1x16xf32>,
      %get3A_714 = vector.shape_cast %get3A_713 : vector<1x16xf32> to vector<16xf32>
      %max3A_715 = arith.maximumf %max3A_694, %get3A_714 : vector<16xf32>
      %min3A_716 = arith.minimumf %max3A_694, %get3A_714 : vector<16xf32>
      %max3A_717 = arith.maximumf %max3A_696, %min3A_716 : vector<16xf32>
      %min3A_718 = arith.minimumf %max3A_696, %min3A_716 : vector<16xf32>
      %max3A_719 = arith.maximumf %max3A_698, %min3A_718 : vector<16xf32>
      %min3A_720 = arith.minimumf %max3A_698, %min3A_718 : vector<16xf32>
      %max3A_721 = arith.maximumf %max3A_700, %min3A_720 : vector<16xf32>
      %min3A_722 = arith.minimumf %max3A_700, %min3A_720 : vector<16xf32>
      %max3A_723 = arith.maximumf %max3A_702, %min3A_722 : vector<16xf32>
      %min3A_724 = arith.minimumf %max3A_702, %min3A_722 : vector<16xf32>
      %max3A_725 = arith.maximumf %max3A_704, %min3A_724 : vector<16xf32>
      %min3A_726 = arith.minimumf %max3A_704, %min3A_724 : vector<16xf32>
      %max3A_727 = arith.maximumf %max3A_706, %min3A_726 : vector<16xf32>
      %min3A_728 = arith.minimumf %max3A_706, %min3A_726 : vector<16xf32>
      %max3A_729 = arith.maximumf %max3A_708, %min3A_728 : vector<16xf32>
      %min3A_730 = arith.minimumf %max3A_708, %min3A_728 : vector<16xf32>
      %get3A_731 = arith.constant 34 : i32
      %get3A_732 = arith.index_cast %get3A_731 : i32 to index
      %get3A_733 = arith.index_cast %mul3A_4 : i32 to index
      %get3A_734 = tpu.vector_load %arg4[%get3A_732, %get3A_733] {strides = array<i32>} : memref<64x64xf32, #tpu.memory_space<vmem>>, vector<1x16xf32>,
      %get3A_735 = vector.shape_cast %get3A_734 : vector<1x16xf32> to vector<16xf32>
      %max3A_736 = arith.maximumf %max3A_715, %get3A_735 : vector<16xf32>
      %min3A_737 = arith.minimumf %max3A_715, %get3A_735 : vector<16xf32>
      %max3A_738 = arith.maximumf %max3A_717, %min3A_737 : vector<16xf32>
      %min3A_739 = arith.minimumf %max3A_717, %min3A_737 : vector<16xf32>
      %max3A_740 = arith.maximumf %max3A_719, %min3A_739 : vector<16xf32>
      %min3A_741 = arith.minimumf %max3A_719, %min3A_739 : vector<16xf32>
      %max3A_742 = arith.maximumf %max3A_721, %min3A_741 : vector<16xf32>
      %min3A_743 = arith.minimumf %max3A_721, %min3A_741 : vector<16xf32>
      %max3A_744 = arith.maximumf %max3A_723, %min3A_743 : vector<16xf32>
      %min3A_745 = arith.minimumf %max3A_723, %min3A_743 : vector<16xf32>
      %max3A_746 = arith.maximumf %max3A_725, %min3A_745 : vector<16xf32>
      %min3A_747 = arith.minimumf %max3A_725, %min3A_745 : vector<16xf32>
      %max3A_748 = arith.maximumf %max3A_727, %min3A_747 : vector<16xf32>
      %min3A_749 = arith.minimumf %max3A_727, %min3A_747 : vector<16xf32>
      %max3A_750 = arith.maximumf %max3A_729, %min3A_749 : vector<16xf32>
      %min3A_751 = arith.minimumf %max3A_729, %min3A_749 : vector<16xf32>
      %get3A_752 = arith.constant 35 : i32
      %get3A_753 = arith.index_cast %get3A_752 : i32 to index
      %get3A_754 = arith.index_cast %mul3A_4 : i32 to index
      %get3A_755 = tpu.vector_load %arg4[%get3A_753, %get3A_754] {strides = array<i32>} : memref<64x64xf32, #tpu.memory_space<vmem>>, vector<1x16xf32>,
      %get3A_756 = vector.shape_cast %get3A_755 : vector<1x16xf32> to vector<16xf32>
      %max3A_757 = arith.maximumf %max3A_736, %get3A_756 : vector<16xf32>
      %min3A_758 = arith.minimumf %max3A_736, %get3A_756 : vector<16xf32>
      %max3A_759 = arith.maximumf %max3A_738, %min3A_758 : vector<16xf32>
      %min3A_760 = arith.minimumf %max3A_738, %min3A_758 : vector<16xf32>
      %max3A_761 = arith.maximumf %max3A_740, %min3A_760 : vector<16xf32>
      %min3A_762 = arith.minimumf %max3A_740, %min3A_760 : vector<16xf32>
      %max3A_763 = arith.maximumf %max3A_742, %min3A_762 : vector<16xf32>
      %min3A_764 = arith.minimumf %max3A_742, %min3A_762 : vector<16xf32>
      %max3A_765 = arith.maximumf %max3A_744, %min3A_764 : vector<16xf32>
      %min3A_766 = arith.minimumf %max3A_744, %min3A_764 : vector<16xf32>
      %max3A_767 = arith.maximumf %max3A_746, %min3A_766 : vector<16xf32>
      %min3A_768 = arith.minimumf %max3A_746, %min3A_766 : vector<16xf32>
      %max3A_769 = arith.maximumf %max3A_748, %min3A_768 : vector<16xf32>
      %min3A_770 = arith.minimumf %max3A_748, %min3A_768 : vector<16xf32>
      %max3A_771 = arith.maximumf %max3A_750, %min3A_770 : vector<16xf32>
      %min3A_772 = arith.minimumf %max3A_750, %min3A_770 : vector<16xf32>
      %get3A_773 = arith.constant 36 : i32
      %get3A_774 = arith.index_cast %get3A_773 : i32 to index
      %get3A_775 = arith.index_cast %mul3A_4 : i32 to index
      %get3A_776 = tpu.vector_load %arg4[%get3A_774, %get3A_775] {strides = array<i32>} : memref<64x64xf32, #tpu.memory_space<vmem>>, vector<1x16xf32>,
      %get3A_777 = vector.shape_cast %get3A_776 : vector<1x16xf32> to vector<16xf32>
      %max3A_778 = arith.maximumf %max3A_757, %get3A_777 : vector<16xf32>
      %min3A_779 = arith.minimumf %max3A_757, %get3A_777 : vector<16xf32>
      %max3A_780 = arith.maximumf %max3A_759, %min3A_779 : vector<16xf32>
      %min3A_781 = arith.minimumf %max3A_759, %min3A_779 : vector<16xf32>
      %max3A_782 = arith.maximumf %max3A_761, %min3A_781 : vector<16xf32>
      %min3A_783 = arith.minimumf %max3A_761, %min3A_781 : vector<16xf32>
      %max3A_784 = arith.maximumf %max3A_763, %min3A_783 : vector<16xf32>
      %min3A_785 = arith.minimumf %max3A_763, %min3A_783 : vector<16xf32>
      %max3A_786 = arith.maximumf %max3A_765, %min3A_785 : vector<16xf32>
      %min3A_787 = arith.minimumf %max3A_765, %min3A_785 : vector<16xf32>
      %max3A_788 = arith.maximumf %max3A_767, %min3A_787 : vector<16xf32>
      %min3A_789 = arith.minimumf %max3A_767, %min3A_787 : vector<16xf32>
      %max3A_790 = arith.maximumf %max3A_769, %min3A_789 : vector<16xf32>
      %min3A_791 = arith.minimumf %max3A_769, %min3A_789 : vector<16xf32>
      %max3A_792 = arith.maximumf %max3A_771, %min3A_791 : vector<16xf32>
      %min3A_793 = arith.minimumf %max3A_771, %min3A_791 : vector<16xf32>
      %get3A_794 = arith.constant 37 : i32
      %get3A_795 = arith.index_cast %get3A_794 : i32 to index
      %get3A_796 = arith.index_cast %mul3A_4 : i32 to index
      %get3A_797 = tpu.vector_load %arg4[%get3A_795, %get3A_796] {strides = array<i32>} : memref<64x64xf32, #tpu.memory_space<vmem>>, vector<1x16xf32>,
      %get3A_798 = vector.shape_cast %get3A_797 : vector<1x16xf32> to vector<16xf32>
      %max3A_799 = arith.maximumf %max3A_778, %get3A_798 : vector<16xf32>
      %min3A_800 = arith.minimumf %max3A_778, %get3A_798 : vector<16xf32>
      %max3A_801 = arith.maximumf %max3A_780, %min3A_800 : vector<16xf32>
      %min3A_802 = arith.minimumf %max3A_780, %min3A_800 : vector<16xf32>
      %max3A_803 = arith.maximumf %max3A_782, %min3A_802 : vector<16xf32>
      %min3A_804 = arith.minimumf %max3A_782, %min3A_802 : vector<16xf32>
      %max3A_805 = arith.maximumf %max3A_784, %min3A_804 : vector<16xf32>
      %min3A_806 = arith.minimumf %max3A_784, %min3A_804 : vector<16xf32>
      %max3A_807 = arith.maximumf %max3A_786, %min3A_806 : vector<16xf32>
      %min3A_808 = arith.minimumf %max3A_786, %min3A_806 : vector<16xf32>
      %max3A_809 = arith.maximumf %max3A_788, %min3A_808 : vector<16xf32>
      %min3A_810 = arith.minimumf %max3A_788, %min3A_808 : vector<16xf32>
      %max3A_811 = arith.maximumf %max3A_790, %min3A_810 : vector<16xf32>
      %min3A_812 = arith.minimumf %max3A_790, %min3A_810 : vector<16xf32>
      %max3A_813 = arith.maximumf %max3A_792, %min3A_812 : vector<16xf32>
      %min3A_814 = arith.minimumf %max3A_792, %min3A_812 : vector<16xf32>
      %get3A_815 = arith.constant 38 : i32
      %get3A_816 = arith.index_cast %get3A_815 : i32 to index
      %get3A_817 = arith.index_cast %mul3A_4 : i32 to index
      %get3A_818 = tpu.vector_load %arg4[%get3A_816, %get3A_817] {strides = array<i32>} : memref<64x64xf32, #tpu.memory_space<vmem>>, vector<1x16xf32>,
      %get3A_819 = vector.shape_cast %get3A_818 : vector<1x16xf32> to vector<16xf32>
      %max3A_820 = arith.maximumf %max3A_799, %get3A_819 : vector<16xf32>
      %min3A_821 = arith.minimumf %max3A_799, %get3A_819 : vector<16xf32>
      %max3A_822 = arith.maximumf %max3A_801, %min3A_821 : vector<16xf32>
      %min3A_823 = arith.minimumf %max3A_801, %min3A_821 : vector<16xf32>
      %max3A_824 = arith.maximumf %max3A_803, %min3A_823 : vector<16xf32>
      %min3A_825 = arith.minimumf %max3A_803, %min3A_823 : vector<16xf32>
      %max3A_826 = arith.maximumf %max3A_805, %min3A_825 : vector<16xf32>
      %min3A_827 = arith.minimumf %max3A_805, %min3A_825 : vector<16xf32>
      %max3A_828 = arith.maximumf %max3A_807, %min3A_827 : vector<16xf32>
      %min3A_829 = arith.minimumf %max3A_807, %min3A_827 : vector<16xf32>
      %max3A_830 = arith.maximumf %max3A_809, %min3A_829 : vector<16xf32>
      %min3A_831 = arith.minimumf %max3A_809, %min3A_829 : vector<16xf32>
      %max3A_832 = arith.maximumf %max3A_811, %min3A_831 : vector<16xf32>
      %min3A_833 = arith.minimumf %max3A_811, %min3A_831 : vector<16xf32>
      %max3A_834 = arith.maximumf %max3A_813, %min3A_833 : vector<16xf32>
      %min3A_835 = arith.minimumf %max3A_813, %min3A_833 : vector<16xf32>
      %get3A_836 = arith.constant 39 : i32
      %get3A_837 = arith.index_cast %get3A_836 : i32 to index
      %get3A_838 = arith.index_cast %mul3A_4 : i32 to index
      %get3A_839 = tpu.vector_load %arg4[%get3A_837, %get3A_838] {strides = array<i32>} : memref<64x64xf32, #tpu.memory_space<vmem>>, vector<1x16xf32>,
      %get3A_840 = vector.shape_cast %get3A_839 : vector<1x16xf32> to vector<16xf32>
      %max3A_841 = arith.maximumf %max3A_820, %get3A_840 : vector<16xf32>
      %min3A_842 = arith.minimumf %max3A_820, %get3A_840 : vector<16xf32>
      %max3A_843 = arith.maximumf %max3A_822, %min3A_842 : vector<16xf32>
      %min3A_844 = arith.minimumf %max3A_822, %min3A_842 : vector<16xf32>
      %max3A_845 = arith.maximumf %max3A_824, %min3A_844 : vector<16xf32>
      %min3A_846 = arith.minimumf %max3A_824, %min3A_844 : vector<16xf32>
      %max3A_847 = arith.maximumf %max3A_826, %min3A_846 : vector<16xf32>
      %min3A_848 = arith.minimumf %max3A_826, %min3A_846 : vector<16xf32>
      %max3A_849 = arith.maximumf %max3A_828, %min3A_848 : vector<16xf32>
      %min3A_850 = arith.minimumf %max3A_828, %min3A_848 : vector<16xf32>
      %max3A_851 = arith.maximumf %max3A_830, %min3A_850 : vector<16xf32>
      %min3A_852 = arith.minimumf %max3A_830, %min3A_850 : vector<16xf32>
      %max3A_853 = arith.maximumf %max3A_832, %min3A_852 : vector<16xf32>
      %min3A_854 = arith.minimumf %max3A_832, %min3A_852 : vector<16xf32>
      %max3A_855 = arith.maximumf %max3A_834, %min3A_854 : vector<16xf32>
      %min3A_856 = arith.minimumf %max3A_834, %min3A_854 : vector<16xf32>
      %get3A_857 = arith.constant 40 : i32
      %get3A_858 = arith.index_cast %get3A_857 : i32 to index
      %get3A_859 = arith.index_cast %mul3A_4 : i32 to index
      %get3A_860 = tpu.vector_load %arg4[%get3A_858, %get3A_859] {strides = array<i32>} : memref<64x64xf32, #tpu.memory_space<vmem>>, vector<1x16xf32>,
      %get3A_861 = vector.shape_cast %get3A_860 : vector<1x16xf32> to vector<16xf32>
      %max3A_862 = arith.maximumf %max3A_841, %get3A_861 : vector<16xf32>
      %min3A_863 = arith.minimumf %max3A_841, %get3A_861 : vector<16xf32>
      %max3A_864 = arith.maximumf %max3A_843, %min3A_863 : vector<16xf32>
      %min3A_865 = arith.minimumf %max3A_843, %min3A_863 : vector<16xf32>
      %max3A_866 = arith.maximumf %max3A_845, %min3A_865 : vector<16xf32>
      %min3A_867 = arith.minimumf %max3A_845, %min3A_865 : vector<16xf32>
      %max3A_868 = arith.maximumf %max3A_847, %min3A_867 : vector<16xf32>
      %min3A_869 = arith.minimumf %max3A_847, %min3A_867 : vector<16xf32>
      %max3A_870 = arith.maximumf %max3A_849, %min3A_869 : vector<16xf32>
      %min3A_871 = arith.minimumf %max3A_849, %min3A_869 : vector<16xf32>
      %max3A_872 = arith.maximumf %max3A_851, %min3A_871 : vector<16xf32>
      %min3A_873 = arith.minimumf %max3A_851, %min3A_871 : vector<16xf32>
      %max3A_874 = arith.maximumf %max3A_853, %min3A_873 : vector<16xf32>
      %min3A_875 = arith.minimumf %max3A_853, %min3A_873 : vector<16xf32>
      %max3A_876 = arith.maximumf %max3A_855, %min3A_875 : vector<16xf32>
      %min3A_877 = arith.minimumf %max3A_855, %min3A_875 : vector<16xf32>
      %get3A_878 = arith.constant 41 : i32
      %get3A_879 = arith.index_cast %get3A_878 : i32 to index
      %get3A_880 = arith.index_cast %mul3A_4 : i32 to index
      %get3A_881 = tpu.vector_load %arg4[%get3A_879, %get3A_880] {strides = array<i32>} : memref<64x64xf32, #tpu.memory_space<vmem>>, vector<1x16xf32>,
      %get3A_882 = vector.shape_cast %get3A_881 : vector<1x16xf32> to vector<16xf32>
      %max3A_883 = arith.maximumf %max3A_862, %get3A_882 : vector<16xf32>
      %min3A_884 = arith.minimumf %max3A_862, %get3A_882 : vector<16xf32>
      %max3A_885 = arith.maximumf %max3A_864, %min3A_884 : vector<16xf32>
      %min3A_886 = arith.minimumf %max3A_864, %min3A_884 : vector<16xf32>
      %max3A_887 = arith.maximumf %max3A_866, %min3A_886 : vector<16xf32>
      %min3A_888 = arith.minimumf %max3A_866, %min3A_886 : vector<16xf32>
      %max3A_889 = arith.maximumf %max3A_868, %min3A_888 : vector<16xf32>
      %min3A_890 = arith.minimumf %max3A_868, %min3A_888 : vector<16xf32>
      %max3A_891 = arith.maximumf %max3A_870, %min3A_890 : vector<16xf32>
      %min3A_892 = arith.minimumf %max3A_870, %min3A_890 : vector<16xf32>
      %max3A_893 = arith.maximumf %max3A_872, %min3A_892 : vector<16xf32>
      %min3A_894 = arith.minimumf %max3A_872, %min3A_892 : vector<16xf32>
      %max3A_895 = arith.maximumf %max3A_874, %min3A_894 : vector<16xf32>
      %min3A_896 = arith.minimumf %max3A_874, %min3A_894 : vector<16xf32>
      %max3A_897 = arith.maximumf %max3A_876, %min3A_896 : vector<16xf32>
      %min3A_898 = arith.minimumf %max3A_876, %min3A_896 : vector<16xf32>
      %get3A_899 = arith.constant 42 : i32
      %get3A_900 = arith.index_cast %get3A_899 : i32 to index
      %get3A_901 = arith.index_cast %mul3A_4 : i32 to index
      %get3A_902 = tpu.vector_load %arg4[%get3A_900, %get3A_901] {strides = array<i32>} : memref<64x64xf32, #tpu.memory_space<vmem>>, vector<1x16xf32>,
      %get3A_903 = vector.shape_cast %get3A_902 : vector<1x16xf32> to vector<16xf32>
      %max3A_904 = arith.maximumf %max3A_883, %get3A_903 : vector<16xf32>
      %min3A_905 = arith.minimumf %max3A_883, %get3A_903 : vector<16xf32>
      %max3A_906 = arith.maximumf %max3A_885, %min3A_905 : vector<16xf32>
      %min3A_907 = arith.minimumf %max3A_885, %min3A_905 : vector<16xf32>
      %max3A_908 = arith.maximumf %max3A_887, %min3A_907 : vector<16xf32>
      %min3A_909 = arith.minimumf %max3A_887, %min3A_907 : vector<16xf32>
      %max3A_910 = arith.maximumf %max3A_889, %min3A_909 : vector<16xf32>
      %min3A_911 = arith.minimumf %max3A_889, %min3A_909 : vector<16xf32>
      %max3A_912 = arith.maximumf %max3A_891, %min3A_911 : vector<16xf32>
      %min3A_913 = arith.minimumf %max3A_891, %min3A_911 : vector<16xf32>
      %max3A_914 = arith.maximumf %max3A_893, %min3A_913 : vector<16xf32>
      %min3A_915 = arith.minimumf %max3A_893, %min3A_913 : vector<16xf32>
      %max3A_916 = arith.maximumf %max3A_895, %min3A_915 : vector<16xf32>
      %min3A_917 = arith.minimumf %max3A_895, %min3A_915 : vector<16xf32>
      %max3A_918 = arith.maximumf %max3A_897, %min3A_917 : vector<16xf32>
      %min3A_919 = arith.minimumf %max3A_897, %min3A_917 : vector<16xf32>
      %get3A_920 = arith.constant 43 : i32
      %get3A_921 = arith.index_cast %get3A_920 : i32 to index
      %get3A_922 = arith.index_cast %mul3A_4 : i32 to index
      %get3A_923 = tpu.vector_load %arg4[%get3A_921, %get3A_922] {strides = array<i32>} : memref<64x64xf32, #tpu.memory_space<vmem>>, vector<1x16xf32>,
      %get3A_924 = vector.shape_cast %get3A_923 : vector<1x16xf32> to vector<16xf32>
      %max3A_925 = arith.maximumf %max3A_904, %get3A_924 : vector<16xf32>
      %min3A_926 = arith.minimumf %max3A_904, %get3A_924 : vector<16xf32>
      %max3A_927 = arith.maximumf %max3A_906, %min3A_926 : vector<16xf32>
      %min3A_928 = arith.minimumf %max3A_906, %min3A_926 : vector<16xf32>
      %max3A_929 = arith.maximumf %max3A_908, %min3A_928 : vector<16xf32>
      %min3A_930 = arith.minimumf %max3A_908, %min3A_928 : vector<16xf32>
      %max3A_931 = arith.maximumf %max3A_910, %min3A_930 : vector<16xf32>
      %min3A_932 = arith.minimumf %max3A_910, %min3A_930 : vector<16xf32>
      %max3A_933 = arith.maximumf %max3A_912, %min3A_932 : vector<16xf32>
      %min3A_934 = arith.minimumf %max3A_912, %min3A_932 : vector<16xf32>
      %max3A_935 = arith.maximumf %max3A_914, %min3A_934 : vector<16xf32>
      %min3A_936 = arith.minimumf %max3A_914, %min3A_934 : vector<16xf32>
      %max3A_937 = arith.maximumf %max3A_916, %min3A_936 : vector<16xf32>
      %min3A_938 = arith.minimumf %max3A_916, %min3A_936 : vector<16xf32>
      %max3A_939 = arith.maximumf %max3A_918, %min3A_938 : vector<16xf32>
      %min3A_940 = arith.minimumf %max3A_918, %min3A_938 : vector<16xf32>
      %get3A_941 = arith.constant 44 : i32
      %get3A_942 = arith.index_cast %get3A_941 : i32 to index
      %get3A_943 = arith.index_cast %mul3A_4 : i32 to index
      %get3A_944 = tpu.vector_load %arg4[%get3A_942, %get3A_943] {strides = array<i32>} : memref<64x64xf32, #tpu.memory_space<vmem>>, vector<1x16xf32>,
      %get3A_945 = vector.shape_cast %get3A_944 : vector<1x16xf32> to vector<16xf32>
      %max3A_946 = arith.maximumf %max3A_925, %get3A_945 : vector<16xf32>
      %min3A_947 = arith.minimumf %max3A_925, %get3A_945 : vector<16xf32>
      %max3A_948 = arith.maximumf %max3A_927, %min3A_947 : vector<16xf32>
      %min3A_949 = arith.minimumf %max3A_927, %min3A_947 : vector<16xf32>
      %max3A_950 = arith.maximumf %max3A_929, %min3A_949 : vector<16xf32>
      %min3A_951 = arith.minimumf %max3A_929, %min3A_949 : vector<16xf32>
      %max3A_952 = arith.maximumf %max3A_931, %min3A_951 : vector<16xf32>
      %min3A_953 = arith.minimumf %max3A_931, %min3A_951 : vector<16xf32>
      %max3A_954 = arith.maximumf %max3A_933, %min3A_953 : vector<16xf32>
      %min3A_955 = arith.minimumf %max3A_933, %min3A_953 : vector<16xf32>
      %max3A_956 = arith.maximumf %max3A_935, %min3A_955 : vector<16xf32>
      %min3A_957 = arith.minimumf %max3A_935, %min3A_955 : vector<16xf32>
      %max3A_958 = arith.maximumf %max3A_937, %min3A_957 : vector<16xf32>
      %min3A_959 = arith.minimumf %max3A_937, %min3A_957 : vector<16xf32>
      %max3A_960 = arith.maximumf %max3A_939, %min3A_959 : vector<16xf32>
      %min3A_961 = arith.minimumf %max3A_939, %min3A_959 : vector<16xf32>
      %get3A_962 = arith.constant 45 : i32
      %get3A_963 = arith.index_cast %get3A_962 : i32 to index
      %get3A_964 = arith.index_cast %mul3A_4 : i32 to index
      %get3A_965 = tpu.vector_load %arg4[%get3A_963, %get3A_964] {strides = array<i32>} : memref<64x64xf32, #tpu.memory_space<vmem>>, vector<1x16xf32>,
      %get3A_966 = vector.shape_cast %get3A_965 : vector<1x16xf32> to vector<16xf32>
      %max3A_967 = arith.maximumf %max3A_946, %get3A_966 : vector<16xf32>
      %min3A_968 = arith.minimumf %max3A_946, %get3A_966 : vector<16xf32>
      %max3A_969 = arith.maximumf %max3A_948, %min3A_968 : vector<16xf32>
      %min3A_970 = arith.minimumf %max3A_948, %min3A_968 : vector<16xf32>
      %max3A_971 = arith.maximumf %max3A_950, %min3A_970 : vector<16xf32>
      %min3A_972 = arith.minimumf %max3A_950, %min3A_970 : vector<16xf32>
      %max3A_973 = arith.maximumf %max3A_952, %min3A_972 : vector<16xf32>
      %min3A_974 = arith.minimumf %max3A_952, %min3A_972 : vector<16xf32>
      %max3A_975 = arith.maximumf %max3A_954, %min3A_974 : vector<16xf32>
      %min3A_976 = arith.minimumf %max3A_954, %min3A_974 : vector<16xf32>
      %max3A_977 = arith.maximumf %max3A_956, %min3A_976 : vector<16xf32>
      %min3A_978 = arith.minimumf %max3A_956, %min3A_976 : vector<16xf32>
      %max3A_979 = arith.maximumf %max3A_958, %min3A_978 : vector<16xf32>
      %min3A_980 = arith.minimumf %max3A_958, %min3A_978 : vector<16xf32>
      %max3A_981 = arith.maximumf %max3A_960, %min3A_980 : vector<16xf32>
      %min3A_982 = arith.minimumf %max3A_960, %min3A_980 : vector<16xf32>
      %get3A_983 = arith.constant 46 : i32
      %get3A_984 = arith.index_cast %get3A_983 : i32 to index
      %get3A_985 = arith.index_cast %mul3A_4 : i32 to index
      %get3A_986 = tpu.vector_load %arg4[%get3A_984, %get3A_985] {strides = array<i32>} : memref<64x64xf32, #tpu.memory_space<vmem>>, vector<1x16xf32>,
      %get3A_987 = vector.shape_cast %get3A_986 : vector<1x16xf32> to vector<16xf32>
      %max3A_988 = arith.maximumf %max3A_967, %get3A_987 : vector<16xf32>
      %min3A_989 = arith.minimumf %max3A_967, %get3A_987 : vector<16xf32>
      %max3A_990 = arith.maximumf %max3A_969, %min3A_989 : vector<16xf32>
      %min3A_991 = arith.minimumf %max3A_969, %min3A_989 : vector<16xf32>
      %max3A_992 = arith.maximumf %max3A_971, %min3A_991 : vector<16xf32>
      %min3A_993 = arith.minimumf %max3A_971, %min3A_991 : vector<16xf32>
      %max3A_994 = arith.maximumf %max3A_973, %min3A_993 : vector<16xf32>
      %min3A_995 = arith.minimumf %max3A_973, %min3A_993 : vector<16xf32>
      %max3A_996 = arith.maximumf %max3A_975, %min3A_995 : vector<16xf32>
      %min3A_997 = arith.minimumf %max3A_975, %min3A_995 : vector<16xf32>
      %max3A_998 = arith.maximumf %max3A_977, %min3A_997 : vector<16xf32>
      %min3A_999 = arith.minimumf %max3A_977, %min3A_997 : vector<16xf32>
      %max3A_1000 = arith.maximumf %max3A_979, %min3A_999 : vector<16xf32>
      %min3A_1001 = arith.minimumf %max3A_979, %min3A_999 : vector<16xf32>
      %max3A_1002 = arith.maximumf %max3A_981, %min3A_1001 : vector<16xf32>
      %min3A_1003 = arith.minimumf %max3A_981, %min3A_1001 : vector<16xf32>
      %get3A_1004 = arith.constant 47 : i32
      %get3A_1005 = arith.index_cast %get3A_1004 : i32 to index
      %get3A_1006 = arith.index_cast %mul3A_4 : i32 to index
      %get3A_1007 = tpu.vector_load %arg4[%get3A_1005, %get3A_1006] {strides = array<i32>} : memref<64x64xf32, #tpu.memory_space<vmem>>, vector<1x16xf32>,
      %get3A_1008 = vector.shape_cast %get3A_1007 : vector<1x16xf32> to vector<16xf32>
      %max3A_1009 = arith.maximumf %max3A_988, %get3A_1008 : vector<16xf32>
      %min3A_1010 = arith.minimumf %max3A_988, %get3A_1008 : vector<16xf32>
      %max3A_1011 = arith.maximumf %max3A_990, %min3A_1010 : vector<16xf32>
      %min3A_1012 = arith.minimumf %max3A_990, %min3A_1010 : vector<16xf32>
      %max3A_1013 = arith.maximumf %max3A_992, %min3A_1012 : vector<16xf32>
      %min3A_1014 = arith.minimumf %max3A_992, %min3A_1012 : vector<16xf32>
      %max3A_1015 = arith.maximumf %max3A_994, %min3A_1014 : vector<16xf32>
      %min3A_1016 = arith.minimumf %max3A_994, %min3A_1014 : vector<16xf32>
      %max3A_1017 = arith.maximumf %max3A_996, %min3A_1016 : vector<16xf32>
      %min3A_1018 = arith.minimumf %max3A_996, %min3A_1016 : vector<16xf32>
      %max3A_1019 = arith.maximumf %max3A_998, %min3A_1018 : vector<16xf32>
      %min3A_1020 = arith.minimumf %max3A_998, %min3A_1018 : vector<16xf32>
      %max3A_1021 = arith.maximumf %max3A_1000, %min3A_1020 : vector<16xf32>
      %min3A_1022 = arith.minimumf %max3A_1000, %min3A_1020 : vector<16xf32>
      %max3A_1023 = arith.maximumf %max3A_1002, %min3A_1022 : vector<16xf32>
      %min3A_1024 = arith.minimumf %max3A_1002, %min3A_1022 : vector<16xf32>
      %get3A_1025 = arith.constant 48 : i32
      %get3A_1026 = arith.index_cast %get3A_1025 : i32 to index
      %get3A_1027 = arith.index_cast %mul3A_4 : i32 to index
      %get3A_1028 = tpu.vector_load %arg4[%get3A_1026, %get3A_1027] {strides = array<i32>} : memref<64x64xf32, #tpu.memory_space<vmem>>, vector<1x16xf32>,
      %get3A_1029 = vector.shape_cast %get3A_1028 : vector<1x16xf32> to vector<16xf32>
      %max3A_1030 = arith.maximumf %max3A_1009, %get3A_1029 : vector<16xf32>
      %min3A_1031 = arith.minimumf %max3A_1009, %get3A_1029 : vector<16xf32>
      %max3A_1032 = arith.maximumf %max3A_1011, %min3A_1031 : vector<16xf32>
      %min3A_1033 = arith.minimumf %max3A_1011, %min3A_1031 : vector<16xf32>
      %max3A_1034 = arith.maximumf %max3A_1013, %min3A_1033 : vector<16xf32>
      %min3A_1035 = arith.minimumf %max3A_1013, %min3A_1033 : vector<16xf32>
      %max3A_1036 = arith.maximumf %max3A_1015, %min3A_1035 : vector<16xf32>
      %min3A_1037 = arith.minimumf %max3A_1015, %min3A_1035 : vector<16xf32>
      %max3A_1038 = arith.maximumf %max3A_1017, %min3A_1037 : vector<16xf32>
      %min3A_1039 = arith.minimumf %max3A_1017, %min3A_1037 : vector<16xf32>
      %max3A_1040 = arith.maximumf %max3A_1019, %min3A_1039 : vector<16xf32>
      %min3A_1041 = arith.minimumf %max3A_1019, %min3A_1039 : vector<16xf32>
      %max3A_1042 = arith.maximumf %max3A_1021, %min3A_1041 : vector<16xf32>
      %min3A_1043 = arith.minimumf %max3A_1021, %min3A_1041 : vector<16xf32>
      %max3A_1044 = arith.maximumf %max3A_1023, %min3A_1043 : vector<16xf32>
      %min3A_1045 = arith.minimumf %max3A_1023, %min3A_1043 : vector<16xf32>
      %get3A_1046 = arith.constant 49 : i32
      %get3A_1047 = arith.index_cast %get3A_1046 : i32 to index
      %get3A_1048 = arith.index_cast %mul3A_4 : i32 to index
      %get3A_1049 = tpu.vector_load %arg4[%get3A_1047, %get3A_1048] {strides = array<i32>} : memref<64x64xf32, #tpu.memory_space<vmem>>, vector<1x16xf32>,
      %get3A_1050 = vector.shape_cast %get3A_1049 : vector<1x16xf32> to vector<16xf32>
      %max3A_1051 = arith.maximumf %max3A_1030, %get3A_1050 : vector<16xf32>
      %min3A_1052 = arith.minimumf %max3A_1030, %get3A_1050 : vector<16xf32>
      %max3A_1053 = arith.maximumf %max3A_1032, %min3A_1052 : vector<16xf32>
      %min3A_1054 = arith.minimumf %max3A_1032, %min3A_1052 : vector<16xf32>
      %max3A_1055 = arith.maximumf %max3A_1034, %min3A_1054 : vector<16xf32>
      %min3A_1056 = arith.minimumf %max3A_1034, %min3A_1054 : vector<16xf32>
      %max3A_1057 = arith.maximumf %max3A_1036, %min3A_1056 : vector<16xf32>
      %min3A_1058 = arith.minimumf %max3A_1036, %min3A_1056 : vector<16xf32>
      %max3A_1059 = arith.maximumf %max3A_1038, %min3A_1058 : vector<16xf32>
      %min3A_1060 = arith.minimumf %max3A_1038, %min3A_1058 : vector<16xf32>
      %max3A_1061 = arith.maximumf %max3A_1040, %min3A_1060 : vector<16xf32>
      %min3A_1062 = arith.minimumf %max3A_1040, %min3A_1060 : vector<16xf32>
      %max3A_1063 = arith.maximumf %max3A_1042, %min3A_1062 : vector<16xf32>
      %min3A_1064 = arith.minimumf %max3A_1042, %min3A_1062 : vector<16xf32>
      %max3A_1065 = arith.maximumf %max3A_1044, %min3A_1064 : vector<16xf32>
      %min3A_1066 = arith.minimumf %max3A_1044, %min3A_1064 : vector<16xf32>
      %get3A_1067 = arith.constant 50 : i32
      %get3A_1068 = arith.index_cast %get3A_1067 : i32 to index
      %get3A_1069 = arith.index_cast %mul3A_4 : i32 to index
      %get3A_1070 = tpu.vector_load %arg4[%get3A_1068, %get3A_1069] {strides = array<i32>} : memref<64x64xf32, #tpu.memory_space<vmem>>, vector<1x16xf32>,
      %get3A_1071 = vector.shape_cast %get3A_1070 : vector<1x16xf32> to vector<16xf32>
      %max3A_1072 = arith.maximumf %max3A_1051, %get3A_1071 : vector<16xf32>
      %min3A_1073 = arith.minimumf %max3A_1051, %get3A_1071 : vector<16xf32>
      %max3A_1074 = arith.maximumf %max3A_1053, %min3A_1073 : vector<16xf32>
      %min3A_1075 = arith.minimumf %max3A_1053, %min3A_1073 : vector<16xf32>
      %max3A_1076 = arith.maximumf %max3A_1055, %min3A_1075 : vector<16xf32>
      %min3A_1077 = arith.minimumf %max3A_1055, %min3A_1075 : vector<16xf32>
      %max3A_1078 = arith.maximumf %max3A_1057, %min3A_1077 : vector<16xf32>
      %min3A_1079 = arith.minimumf %max3A_1057, %min3A_1077 : vector<16xf32>
      %max3A_1080 = arith.maximumf %max3A_1059, %min3A_1079 : vector<16xf32>
      %min3A_1081 = arith.minimumf %max3A_1059, %min3A_1079 : vector<16xf32>
      %max3A_1082 = arith.maximumf %max3A_1061, %min3A_1081 : vector<16xf32>
      %min3A_1083 = arith.minimumf %max3A_1061, %min3A_1081 : vector<16xf32>
      %max3A_1084 = arith.maximumf %max3A_1063, %min3A_1083 : vector<16xf32>
      %min3A_1085 = arith.minimumf %max3A_1063, %min3A_1083 : vector<16xf32>
      %max3A_1086 = arith.maximumf %max3A_1065, %min3A_1085 : vector<16xf32>
      %min3A_1087 = arith.minimumf %max3A_1065, %min3A_1085 : vector<16xf32>
      %get3A_1088 = arith.constant 51 : i32
      %get3A_1089 = arith.index_cast %get3A_1088 : i32 to index
      %get3A_1090 = arith.index_cast %mul3A_4 : i32 to index
      %get3A_1091 = tpu.vector_load %arg4[%get3A_1089, %get3A_1090] {strides = array<i32>} : memref<64x64xf32, #tpu.memory_space<vmem>>, vector<1x16xf32>,
      %get3A_1092 = vector.shape_cast %get3A_1091 : vector<1x16xf32> to vector<16xf32>
      %max3A_1093 = arith.maximumf %max3A_1072, %get3A_1092 : vector<16xf32>
      %min3A_1094 = arith.minimumf %max3A_1072, %get3A_1092 : vector<16xf32>
      %max3A_1095 = arith.maximumf %max3A_1074, %min3A_1094 : vector<16xf32>
      %min3A_1096 = arith.minimumf %max3A_1074, %min3A_1094 : vector<16xf32>
      %max3A_1097 = arith.maximumf %max3A_1076, %min3A_1096 : vector<16xf32>
      %min3A_1098 = arith.minimumf %max3A_1076, %min3A_1096 : vector<16xf32>
      %max3A_1099 = arith.maximumf %max3A_1078, %min3A_1098 : vector<16xf32>
      %min3A_1100 = arith.minimumf %max3A_1078, %min3A_1098 : vector<16xf32>
      %max3A_1101 = arith.maximumf %max3A_1080, %min3A_1100 : vector<16xf32>
      %min3A_1102 = arith.minimumf %max3A_1080, %min3A_1100 : vector<16xf32>
      %max3A_1103 = arith.maximumf %max3A_1082, %min3A_1102 : vector<16xf32>
      %min3A_1104 = arith.minimumf %max3A_1082, %min3A_1102 : vector<16xf32>
      %max3A_1105 = arith.maximumf %max3A_1084, %min3A_1104 : vector<16xf32>
      %min3A_1106 = arith.minimumf %max3A_1084, %min3A_1104 : vector<16xf32>
      %max3A_1107 = arith.maximumf %max3A_1086, %min3A_1106 : vector<16xf32>
      %min3A_1108 = arith.minimumf %max3A_1086, %min3A_1106 : vector<16xf32>
      %get3A_1109 = arith.constant 52 : i32
      %get3A_1110 = arith.index_cast %get3A_1109 : i32 to index
      %get3A_1111 = arith.index_cast %mul3A_4 : i32 to index
      %get3A_1112 = tpu.vector_load %arg4[%get3A_1110, %get3A_1111] {strides = array<i32>} : memref<64x64xf32, #tpu.memory_space<vmem>>, vector<1x16xf32>,
      %get3A_1113 = vector.shape_cast %get3A_1112 : vector<1x16xf32> to vector<16xf32>
      %max3A_1114 = arith.maximumf %max3A_1093, %get3A_1113 : vector<16xf32>
      %min3A_1115 = arith.minimumf %max3A_1093, %get3A_1113 : vector<16xf32>
      %max3A_1116 = arith.maximumf %max3A_1095, %min3A_1115 : vector<16xf32>
      %min3A_1117 = arith.minimumf %max3A_1095, %min3A_1115 : vector<16xf32>
      %max3A_1118 = arith.maximumf %max3A_1097, %min3A_1117 : vector<16xf32>
      %min3A_1119 = arith.minimumf %max3A_1097, %min3A_1117 : vector<16xf32>
      %max3A_1120 = arith.maximumf %max3A_1099, %min3A_1119 : vector<16xf32>
      %min3A_1121 = arith.minimumf %max3A_1099, %min3A_1119 : vector<16xf32>
      %max3A_1122 = arith.maximumf %max3A_1101, %min3A_1121 : vector<16xf32>
      %min3A_1123 = arith.minimumf %max3A_1101, %min3A_1121 : vector<16xf32>
      %max3A_1124 = arith.maximumf %max3A_1103, %min3A_1123 : vector<16xf32>
      %min3A_1125 = arith.minimumf %max3A_1103, %min3A_1123 : vector<16xf32>
      %max3A_1126 = arith.maximumf %max3A_1105, %min3A_1125 : vector<16xf32>
      %min3A_1127 = arith.minimumf %max3A_1105, %min3A_1125 : vector<16xf32>
      %max3A_1128 = arith.maximumf %max3A_1107, %min3A_1127 : vector<16xf32>
      %min3A_1129 = arith.minimumf %max3A_1107, %min3A_1127 : vector<16xf32>
      %get3A_1130 = arith.constant 53 : i32
      %get3A_1131 = arith.index_cast %get3A_1130 : i32 to index
      %get3A_1132 = arith.index_cast %mul3A_4 : i32 to index
      %get3A_1133 = tpu.vector_load %arg4[%get3A_1131, %get3A_1132] {strides = array<i32>} : memref<64x64xf32, #tpu.memory_space<vmem>>, vector<1x16xf32>,
      %get3A_1134 = vector.shape_cast %get3A_1133 : vector<1x16xf32> to vector<16xf32>
      %max3A_1135 = arith.maximumf %max3A_1114, %get3A_1134 : vector<16xf32>
      %min3A_1136 = arith.minimumf %max3A_1114, %get3A_1134 : vector<16xf32>
      %max3A_1137 = arith.maximumf %max3A_1116, %min3A_1136 : vector<16xf32>
      %min3A_1138 = arith.minimumf %max3A_1116, %min3A_1136 : vector<16xf32>
      %max3A_1139 = arith.maximumf %max3A_1118, %min3A_1138 : vector<16xf32>
      %min3A_1140 = arith.minimumf %max3A_1118, %min3A_1138 : vector<16xf32>
      %max3A_1141 = arith.maximumf %max3A_1120, %min3A_1140 : vector<16xf32>
      %min3A_1142 = arith.minimumf %max3A_1120, %min3A_1140 : vector<16xf32>
      %max3A_1143 = arith.maximumf %max3A_1122, %min3A_1142 : vector<16xf32>
      %min3A_1144 = arith.minimumf %max3A_1122, %min3A_1142 : vector<16xf32>
      %max3A_1145 = arith.maximumf %max3A_1124, %min3A_1144 : vector<16xf32>
      %min3A_1146 = arith.minimumf %max3A_1124, %min3A_1144 : vector<16xf32>
      %max3A_1147 = arith.maximumf %max3A_1126, %min3A_1146 : vector<16xf32>
      %min3A_1148 = arith.minimumf %max3A_1126, %min3A_1146 : vector<16xf32>
      %max3A_1149 = arith.maximumf %max3A_1128, %min3A_1148 : vector<16xf32>
      %min3A_1150 = arith.minimumf %max3A_1128, %min3A_1148 : vector<16xf32>
      %get3A_1151 = arith.constant 54 : i32
      %get3A_1152 = arith.index_cast %get3A_1151 : i32 to index
      %get3A_1153 = arith.index_cast %mul3A_4 : i32 to index
      %get3A_1154 = tpu.vector_load %arg4[%get3A_1152, %get3A_1153] {strides = array<i32>} : memref<64x64xf32, #tpu.memory_space<vmem>>, vector<1x16xf32>,
      %get3A_1155 = vector.shape_cast %get3A_1154 : vector<1x16xf32> to vector<16xf32>
      %max3A_1156 = arith.maximumf %max3A_1135, %get3A_1155 : vector<16xf32>
      %min3A_1157 = arith.minimumf %max3A_1135, %get3A_1155 : vector<16xf32>
      %max3A_1158 = arith.maximumf %max3A_1137, %min3A_1157 : vector<16xf32>
      %min3A_1159 = arith.minimumf %max3A_1137, %min3A_1157 : vector<16xf32>
      %max3A_1160 = arith.maximumf %max3A_1139, %min3A_1159 : vector<16xf32>
      %min3A_1161 = arith.minimumf %max3A_1139, %min3A_1159 : vector<16xf32>
      %max3A_1162 = arith.maximumf %max3A_1141, %min3A_1161 : vector<16xf32>
      %min3A_1163 = arith.minimumf %max3A_1141, %min3A_1161 : vector<16xf32>
      %max3A_1164 = arith.maximumf %max3A_1143, %min3A_1163 : vector<16xf32>
      %min3A_1165 = arith.minimumf %max3A_1143, %min3A_1163 : vector<16xf32>
      %max3A_1166 = arith.maximumf %max3A_1145, %min3A_1165 : vector<16xf32>
      %min3A_1167 = arith.minimumf %max3A_1145, %min3A_1165 : vector<16xf32>
      %max3A_1168 = arith.maximumf %max3A_1147, %min3A_1167 : vector<16xf32>
      %min3A_1169 = arith.minimumf %max3A_1147, %min3A_1167 : vector<16xf32>
      %max3A_1170 = arith.maximumf %max3A_1149, %min3A_1169 : vector<16xf32>
      %min3A_1171 = arith.minimumf %max3A_1149, %min3A_1169 : vector<16xf32>
      %get3A_1172 = arith.constant 55 : i32
      %get3A_1173 = arith.index_cast %get3A_1172 : i32 to index
      %get3A_1174 = arith.index_cast %mul3A_4 : i32 to index
      %get3A_1175 = tpu.vector_load %arg4[%get3A_1173, %get3A_1174] {strides = array<i32>} : memref<64x64xf32, #tpu.memory_space<vmem>>, vector<1x16xf32>,
      %get3A_1176 = vector.shape_cast %get3A_1175 : vector<1x16xf32> to vector<16xf32>
      %max3A_1177 = arith.maximumf %max3A_1156, %get3A_1176 : vector<16xf32>
      %min3A_1178 = arith.minimumf %max3A_1156, %get3A_1176 : vector<16xf32>
      %max3A_1179 = arith.maximumf %max3A_1158, %min3A_1178 : vector<16xf32>
      %min3A_1180 = arith.minimumf %max3A_1158, %min3A_1178 : vector<16xf32>
      %max3A_1181 = arith.maximumf %max3A_1160, %min3A_1180 : vector<16xf32>
      %min3A_1182 = arith.minimumf %max3A_1160, %min3A_1180 : vector<16xf32>
      %max3A_1183 = arith.maximumf %max3A_1162, %min3A_1182 : vector<16xf32>
      %min3A_1184 = arith.minimumf %max3A_1162, %min3A_1182 : vector<16xf32>
      %max3A_1185 = arith.maximumf %max3A_1164, %min3A_1184 : vector<16xf32>
      %min3A_1186 = arith.minimumf %max3A_1164, %min3A_1184 : vector<16xf32>
      %max3A_1187 = arith.maximumf %max3A_1166, %min3A_1186 : vector<16xf32>
      %min3A_1188 = arith.minimumf %max3A_1166, %min3A_1186 : vector<16xf32>
      %max3A_1189 = arith.maximumf %max3A_1168, %min3A_1188 : vector<16xf32>
      %min3A_1190 = arith.minimumf %max3A_1168, %min3A_1188 : vector<16xf32>
      %max3A_1191 = arith.maximumf %max3A_1170, %min3A_1190 : vector<16xf32>
      %min3A_1192 = arith.minimumf %max3A_1170, %min3A_1190 : vector<16xf32>
      %get3A_1193 = arith.constant 56 : i32
      %get3A_1194 = arith.index_cast %get3A_1193 : i32 to index
      %get3A_1195 = arith.index_cast %mul3A_4 : i32 to index
      %get3A_1196 = tpu.vector_load %arg4[%get3A_1194, %get3A_1195] {strides = array<i32>} : memref<64x64xf32, #tpu.memory_space<vmem>>, vector<1x16xf32>,
      %get3A_1197 = vector.shape_cast %get3A_1196 : vector<1x16xf32> to vector<16xf32>
      %max3A_1198 = arith.maximumf %max3A_1177, %get3A_1197 : vector<16xf32>
      %min3A_1199 = arith.minimumf %max3A_1177, %get3A_1197 : vector<16xf32>
      %max3A_1200 = arith.maximumf %max3A_1179, %min3A_1199 : vector<16xf32>
      %min3A_1201 = arith.minimumf %max3A_1179, %min3A_1199 : vector<16xf32>
      %max3A_1202 = arith.maximumf %max3A_1181, %min3A_1201 : vector<16xf32>
      %min3A_1203 = arith.minimumf %max3A_1181, %min3A_1201 : vector<16xf32>
      %max3A_1204 = arith.maximumf %max3A_1183, %min3A_1203 : vector<16xf32>
      %min3A_1205 = arith.minimumf %max3A_1183, %min3A_1203 : vector<16xf32>
      %max3A_1206 = arith.maximumf %max3A_1185, %min3A_1205 : vector<16xf32>
      %min3A_1207 = arith.minimumf %max3A_1185, %min3A_1205 : vector<16xf32>
      %max3A_1208 = arith.maximumf %max3A_1187, %min3A_1207 : vector<16xf32>
      %min3A_1209 = arith.minimumf %max3A_1187, %min3A_1207 : vector<16xf32>
      %max3A_1210 = arith.maximumf %max3A_1189, %min3A_1209 : vector<16xf32>
      %min3A_1211 = arith.minimumf %max3A_1189, %min3A_1209 : vector<16xf32>
      %max3A_1212 = arith.maximumf %max3A_1191, %min3A_1211 : vector<16xf32>
      %min3A_1213 = arith.minimumf %max3A_1191, %min3A_1211 : vector<16xf32>
      %get3A_1214 = arith.constant 57 : i32
      %get3A_1215 = arith.index_cast %get3A_1214 : i32 to index
      %get3A_1216 = arith.index_cast %mul3A_4 : i32 to index
      %get3A_1217 = tpu.vector_load %arg4[%get3A_1215, %get3A_1216] {strides = array<i32>} : memref<64x64xf32, #tpu.memory_space<vmem>>, vector<1x16xf32>,
      %get3A_1218 = vector.shape_cast %get3A_1217 : vector<1x16xf32> to vector<16xf32>
      %max3A_1219 = arith.maximumf %max3A_1198, %get3A_1218 : vector<16xf32>
      %min3A_1220 = arith.minimumf %max3A_1198, %get3A_1218 : vector<16xf32>
      %max3A_1221 = arith.maximumf %max3A_1200, %min3A_1220 : vector<16xf32>
      %min3A_1222 = arith.minimumf %max3A_1200, %min3A_1220 : vector<16xf32>
      %max3A_1223 = arith.maximumf %max3A_1202, %min3A_1222 : vector<16xf32>
      %min3A_1224 = arith.minimumf %max3A_1202, %min3A_1222 : vector<16xf32>
      %max3A_1225 = arith.maximumf %max3A_1204, %min3A_1224 : vector<16xf32>
      %min3A_1226 = arith.minimumf %max3A_1204, %min3A_1224 : vector<16xf32>
      %max3A_1227 = arith.maximumf %max3A_1206, %min3A_1226 : vector<16xf32>
      %min3A_1228 = arith.minimumf %max3A_1206, %min3A_1226 : vector<16xf32>
      %max3A_1229 = arith.maximumf %max3A_1208, %min3A_1228 : vector<16xf32>
      %min3A_1230 = arith.minimumf %max3A_1208, %min3A_1228 : vector<16xf32>
      %max3A_1231 = arith.maximumf %max3A_1210, %min3A_1230 : vector<16xf32>
      %min3A_1232 = arith.minimumf %max3A_1210, %min3A_1230 : vector<16xf32>
      %max3A_1233 = arith.maximumf %max3A_1212, %min3A_1232 : vector<16xf32>
      %min3A_1234 = arith.minimumf %max3A_1212, %min3A_1232 : vector<16xf32>
      %get3A_1235 = arith.constant 58 : i32
      %get3A_1236 = arith.index_cast %get3A_1235 : i32 to index
      %get3A_1237 = arith.index_cast %mul3A_4 : i32 to index
      %get3A_1238 = tpu.vector_load %arg4[%get3A_1236, %get3A_1237] {strides = array<i32>} : memref<64x64xf32, #tpu.memory_space<vmem>>, vector<1x16xf32>,
      %get3A_1239 = vector.shape_cast %get3A_1238 : vector<1x16xf32> to vector<16xf32>
      %max3A_1240 = arith.maximumf %max3A_1219, %get3A_1239 : vector<16xf32>
      %min3A_1241 = arith.minimumf %max3A_1219, %get3A_1239 : vector<16xf32>
      %max3A_1242 = arith.maximumf %max3A_1221, %min3A_1241 : vector<16xf32>
      %min3A_1243 = arith.minimumf %max3A_1221, %min3A_1241 : vector<16xf32>
      %max3A_1244 = arith.maximumf %max3A_1223, %min3A_1243 : vector<16xf32>
      %min3A_1245 = arith.minimumf %max3A_1223, %min3A_1243 : vector<16xf32>
      %max3A_1246 = arith.maximumf %max3A_1225, %min3A_1245 : vector<16xf32>
      %min3A_1247 = arith.minimumf %max3A_1225, %min3A_1245 : vector<16xf32>
      %max3A_1248 = arith.maximumf %max3A_1227, %min3A_1247 : vector<16xf32>
      %min3A_1249 = arith.minimumf %max3A_1227, %min3A_1247 : vector<16xf32>
      %max3A_1250 = arith.maximumf %max3A_1229, %min3A_1249 : vector<16xf32>
      %min3A_1251 = arith.minimumf %max3A_1229, %min3A_1249 : vector<16xf32>
      %max3A_1252 = arith.maximumf %max3A_1231, %min3A_1251 : vector<16xf32>
      %min3A_1253 = arith.minimumf %max3A_1231, %min3A_1251 : vector<16xf32>
      %max3A_1254 = arith.maximumf %max3A_1233, %min3A_1253 : vector<16xf32>
      %min3A_1255 = arith.minimumf %max3A_1233, %min3A_1253 : vector<16xf32>
      %get3A_1256 = arith.constant 59 : i32
      %get3A_1257 = arith.index_cast %get3A_1256 : i32 to index
      %get3A_1258 = arith.index_cast %mul3A_4 : i32 to index
      %get3A_1259 = tpu.vector_load %arg4[%get3A_1257, %get3A_1258] {strides = array<i32>} : memref<64x64xf32, #tpu.memory_space<vmem>>, vector<1x16xf32>,
      %get3A_1260 = vector.shape_cast %get3A_1259 : vector<1x16xf32> to vector<16xf32>
      %max3A_1261 = arith.maximumf %max3A_1240, %get3A_1260 : vector<16xf32>
      %min3A_1262 = arith.minimumf %max3A_1240, %get3A_1260 : vector<16xf32>
      %max3A_1263 = arith.maximumf %max3A_1242, %min3A_1262 : vector<16xf32>
      %min3A_1264 = arith.minimumf %max3A_1242, %min3A_1262 : vector<16xf32>
      %max3A_1265 = arith.maximumf %max3A_1244, %min3A_1264 : vector<16xf32>
      %min3A_1266 = arith.minimumf %max3A_1244, %min3A_1264 : vector<16xf32>
      %max3A_1267 = arith.maximumf %max3A_1246, %min3A_1266 : vector<16xf32>
      %min3A_1268 = arith.minimumf %max3A_1246, %min3A_1266 : vector<16xf32>
      %max3A_1269 = arith.maximumf %max3A_1248, %min3A_1268 : vector<16xf32>
      %min3A_1270 = arith.minimumf %max3A_1248, %min3A_1268 : vector<16xf32>
      %max3A_1271 = arith.maximumf %max3A_1250, %min3A_1270 : vector<16xf32>
      %min3A_1272 = arith.minimumf %max3A_1250, %min3A_1270 : vector<16xf32>
      %max3A_1273 = arith.maximumf %max3A_1252, %min3A_1272 : vector<16xf32>
      %min3A_1274 = arith.minimumf %max3A_1252, %min3A_1272 : vector<16xf32>
      %max3A_1275 = arith.maximumf %max3A_1254, %min3A_1274 : vector<16xf32>
      %min3A_1276 = arith.minimumf %max3A_1254, %min3A_1274 : vector<16xf32>
      %get3A_1277 = arith.constant 60 : i32
      %get3A_1278 = arith.index_cast %get3A_1277 : i32 to index
      %get3A_1279 = arith.index_cast %mul3A_4 : i32 to index
      %get3A_1280 = tpu.vector_load %arg4[%get3A_1278, %get3A_1279] {strides = array<i32>} : memref<64x64xf32, #tpu.memory_space<vmem>>, vector<1x16xf32>,
      %get3A_1281 = vector.shape_cast %get3A_1280 : vector<1x16xf32> to vector<16xf32>
      %max3A_1282 = arith.maximumf %max3A_1261, %get3A_1281 : vector<16xf32>
      %min3A_1283 = arith.minimumf %max3A_1261, %get3A_1281 : vector<16xf32>
      %max3A_1284 = arith.maximumf %max3A_1263, %min3A_1283 : vector<16xf32>
      %min3A_1285 = arith.minimumf %max3A_1263, %min3A_1283 : vector<16xf32>
      %max3A_1286 = arith.maximumf %max3A_1265, %min3A_1285 : vector<16xf32>
      %min3A_1287 = arith.minimumf %max3A_1265, %min3A_1285 : vector<16xf32>
      %max3A_1288 = arith.maximumf %max3A_1267, %min3A_1287 : vector<16xf32>
      %min3A_1289 = arith.minimumf %max3A_1267, %min3A_1287 : vector<16xf32>
      %max3A_1290 = arith.maximumf %max3A_1269, %min3A_1289 : vector<16xf32>
      %min3A_1291 = arith.minimumf %max3A_1269, %min3A_1289 : vector<16xf32>
      %max3A_1292 = arith.maximumf %max3A_1271, %min3A_1291 : vector<16xf32>
      %min3A_1293 = arith.minimumf %max3A_1271, %min3A_1291 : vector<16xf32>
      %max3A_1294 = arith.maximumf %max3A_1273, %min3A_1293 : vector<16xf32>
      %min3A_1295 = arith.minimumf %max3A_1273, %min3A_1293 : vector<16xf32>
      %max3A_1296 = arith.maximumf %max3A_1275, %min3A_1295 : vector<16xf32>
      %min3A_1297 = arith.minimumf %max3A_1275, %min3A_1295 : vector<16xf32>
      %get3A_1298 = arith.constant 61 : i32
      %get3A_1299 = arith.index_cast %get3A_1298 : i32 to index
      %get3A_1300 = arith.index_cast %mul3A_4 : i32 to index
      %get3A_1301 = tpu.vector_load %arg4[%get3A_1299, %get3A_1300] {strides = array<i32>} : memref<64x64xf32, #tpu.memory_space<vmem>>, vector<1x16xf32>,
      %get3A_1302 = vector.shape_cast %get3A_1301 : vector<1x16xf32> to vector<16xf32>
      %max3A_1303 = arith.maximumf %max3A_1282, %get3A_1302 : vector<16xf32>
      %min3A_1304 = arith.minimumf %max3A_1282, %get3A_1302 : vector<16xf32>
      %max3A_1305 = arith.maximumf %max3A_1284, %min3A_1304 : vector<16xf32>
      %min3A_1306 = arith.minimumf %max3A_1284, %min3A_1304 : vector<16xf32>
      %max3A_1307 = arith.maximumf %max3A_1286, %min3A_1306 : vector<16xf32>
      %min3A_1308 = arith.minimumf %max3A_1286, %min3A_1306 : vector<16xf32>
      %max3A_1309 = arith.maximumf %max3A_1288, %min3A_1308 : vector<16xf32>
      %min3A_1310 = arith.minimumf %max3A_1288, %min3A_1308 : vector<16xf32>
      %max3A_1311 = arith.maximumf %max3A_1290, %min3A_1310 : vector<16xf32>
      %min3A_1312 = arith.minimumf %max3A_1290, %min3A_1310 : vector<16xf32>
      %max3A_1313 = arith.maximumf %max3A_1292, %min3A_1312 : vector<16xf32>
      %min3A_1314 = arith.minimumf %max3A_1292, %min3A_1312 : vector<16xf32>
      %max3A_1315 = arith.maximumf %max3A_1294, %min3A_1314 : vector<16xf32>
      %min3A_1316 = arith.minimumf %max3A_1294, %min3A_1314 : vector<16xf32>
      %max3A_1317 = arith.maximumf %max3A_1296, %min3A_1316 : vector<16xf32>
      %min3A_1318 = arith.minimumf %max3A_1296, %min3A_1316 : vector<16xf32>
      %get3A_1319 = arith.constant 62 : i32
      %get3A_1320 = arith.index_cast %get3A_1319 : i32 to index
      %get3A_1321 = arith.index_cast %mul3A_4 : i32 to index
      %get3A_1322 = tpu.vector_load %arg4[%get3A_1320, %get3A_1321] {strides = array<i32>} : memref<64x64xf32, #tpu.memory_space<vmem>>, vector<1x16xf32>,
      %get3A_1323 = vector.shape_cast %get3A_1322 : vector<1x16xf32> to vector<16xf32>
      %max3A_1324 = arith.maximumf %max3A_1303, %get3A_1323 : vector<16xf32>
      %min3A_1325 = arith.minimumf %max3A_1303, %get3A_1323 : vector<16xf32>
      %max3A_1326 = arith.maximumf %max3A_1305, %min3A_1325 : vector<16xf32>
      %min3A_1327 = arith.minimumf %max3A_1305, %min3A_1325 : vector<16xf32>
      %max3A_1328 = arith.maximumf %max3A_1307, %min3A_1327 : vector<16xf32>
      %min3A_1329 = arith.minimumf %max3A_1307, %min3A_1327 : vector<16xf32>
      %max3A_1330 = arith.maximumf %max3A_1309, %min3A_1329 : vector<16xf32>
      %min3A_1331 = arith.minimumf %max3A_1309, %min3A_1329 : vector<16xf32>
      %max3A_1332 = arith.maximumf %max3A_1311, %min3A_1331 : vector<16xf32>
      %min3A_1333 = arith.minimumf %max3A_1311, %min3A_1331 : vector<16xf32>
      %max3A_1334 = arith.maximumf %max3A_1313, %min3A_1333 : vector<16xf32>
      %min3A_1335 = arith.minimumf %max3A_1313, %min3A_1333 : vector<16xf32>
      %max3A_1336 = arith.maximumf %max3A_1315, %min3A_1335 : vector<16xf32>
      %min3A_1337 = arith.minimumf %max3A_1315, %min3A_1335 : vector<16xf32>
      %max3A_1338 = arith.maximumf %max3A_1317, %min3A_1337 : vector<16xf32>
      %min3A_1339 = arith.minimumf %max3A_1317, %min3A_1337 : vector<16xf32>
      %get3A_1340 = arith.constant 63 : i32
      %get3A_1341 = arith.index_cast %get3A_1340 : i32 to index
      %get3A_1342 = arith.index_cast %mul3A_4 : i32 to index
      %get3A_1343 = tpu.vector_load %arg4[%get3A_1341, %get3A_1342] {strides = array<i32>} : memref<64x64xf32, #tpu.memory_space<vmem>>, vector<1x16xf32>,
      %get3A_1344 = vector.shape_cast %get3A_1343 : vector<1x16xf32> to vector<16xf32>
      %max3A_1345 = arith.maximumf %max3A_1324, %get3A_1344 : vector<16xf32>
      %min3A_1346 = arith.minimumf %max3A_1324, %get3A_1344 : vector<16xf32>
      %max3A_1347 = arith.maximumf %max3A_1326, %min3A_1346 : vector<16xf32>
      %min3A_1348 = arith.minimumf %max3A_1326, %min3A_1346 : vector<16xf32>
      %max3A_1349 = arith.maximumf %max3A_1328, %min3A_1348 : vector<16xf32>
      %min3A_1350 = arith.minimumf %max3A_1328, %min3A_1348 : vector<16xf32>
      %max3A_1351 = arith.maximumf %max3A_1330, %min3A_1350 : vector<16xf32>
      %min3A_1352 = arith.minimumf %max3A_1330, %min3A_1350 : vector<16xf32>
      %max3A_1353 = arith.maximumf %max3A_1332, %min3A_1352 : vector<16xf32>
      %min3A_1354 = arith.minimumf %max3A_1332, %min3A_1352 : vector<16xf32>
      %max3A_1355 = arith.maximumf %max3A_1334, %min3A_1354 : vector<16xf32>
      %min3A_1356 = arith.minimumf %max3A_1334, %min3A_1354 : vector<16xf32>
      %max3A_1357 = arith.maximumf %max3A_1336, %min3A_1356 : vector<16xf32>
      %min3A_1358 = arith.minimumf %max3A_1336, %min3A_1356 : vector<16xf32>
      %max3A_1359 = arith.maximumf %max3A_1338, %min3A_1358 : vector<16xf32>
      %min3A_1360 = arith.minimumf %max3A_1338, %min3A_1358 : vector<16xf32>
      %broadcast_in_dim3A_1361 = arith.constant 0.000000e+00 : f32
      %broadcast_in_dim3A_1362 = vector.broadcast %broadcast_in_dim3A_1361 : f32 to vector<16xf32>
      %sub3A = arith.subf %max3A_1345, %max3A_1345 : vector<16xf32>
      %exp3A = math.exp %sub3A : vector<16xf32>
      %add3A_1363 = arith.addf %broadcast_in_dim3A_1362, %exp3A : vector<16xf32>
      %sub3A_1364 = arith.subf %max3A_1347, %max3A_1345 : vector<16xf32>
      %exp3A_1365 = math.exp %sub3A_1364 : vector<16xf32>
      %add3A_1366 = arith.addf %add3A_1363, %exp3A_1365 : vector<16xf32>
      %sub3A_1367 = arith.subf %max3A_1349, %max3A_1345 : vector<16xf32>
      %exp3A_1368 = math.exp %sub3A_1367 : vector<16xf32>
      %add3A_1369 = arith.addf %add3A_1366, %exp3A_1368 : vector<16xf32>
      %sub3A_1370 = arith.subf %max3A_1351, %max3A_1345 : vector<16xf32>
      %exp3A_1371 = math.exp %sub3A_1370 : vector<16xf32>
      %add3A_1372 = arith.addf %add3A_1369, %exp3A_1371 : vector<16xf32>
      %sub3A_1373 = arith.subf %max3A_1353, %max3A_1345 : vector<16xf32>
      %exp3A_1374 = math.exp %sub3A_1373 : vector<16xf32>
      %add3A_1375 = arith.addf %add3A_1372, %exp3A_1374 : vector<16xf32>
      %sub3A_1376 = arith.subf %max3A_1355, %max3A_1345 : vector<16xf32>
      %exp3A_1377 = math.exp %sub3A_1376 : vector<16xf32>
      %add3A_1378 = arith.addf %add3A_1375, %exp3A_1377 : vector<16xf32>
      %sub3A_1379 = arith.subf %max3A_1357, %max3A_1345 : vector<16xf32>
      %exp3A_1380 = math.exp %sub3A_1379 : vector<16xf32>
      %add3A_1381 = arith.addf %add3A_1378, %exp3A_1380 : vector<16xf32>
      %sub3A_1382 = arith.subf %max3A_1359, %max3A_1345 : vector<16xf32>
      %exp3A_1383 = math.exp %sub3A_1382 : vector<16xf32>
      %add3A_1384 = arith.addf %add3A_1381, %exp3A_1383 : vector<16xf32>
      %div3A = arith.divf %add3A_1384, %add3A_1384 : vector<16xf32>
      %swap3A = arith.constant 0 : index
      %swap3A_1385 = tpu.vector_load %arg5[%swap3A] {strides = array<i32>} : memref<16xf32, #tpu.memory_space<vmem>>, vector<16xf32>,
      %swap3A_1386 = vector.shape_cast %swap3A_1385 : vector<16xf32> to vector<16xf32>
      %swap3A_1387 = vector.shape_cast %div3A : vector<16xf32> to vector<16xf32>
      tpu.vector_store %arg5[%swap3A], %swap3A_1387 {strides = array<i32>} : memref<16xf32, #tpu.memory_space<vmem>>, vector<16xf32>,
      "tpu.region"() ({
        %run_scoped3A = tpu.sem_alloc : memref<!tpu.dma_semaphore, #tpu.memory_space<semaphore_mem>>
        %dma_start3A = tpu.memref_slice %arg3[%mul3A_4] : memref<64xf32, #tpu.memory_space<hbm>> -> memref<16xf32, #tpu.memory_space<hbm>>
        %dma_start3A_1388 = tpu.memref_slice %arg3[%mul3A_4] : memref<64xf32, #tpu.memory_space<hbm>> -> memref<16xf32, #tpu.memory_space<hbm>>
        tpu.enqueue_dma source(%arg5 : memref<16xf32, #tpu.memory_space<vmem>>) target(%dma_start3A_1388 : memref<16xf32, #tpu.memory_space<hbm>>) target_semaphore(%run_scoped3A : memref<!tpu.dma_semaphore, #tpu.memory_space<semaphore_mem>>)
        %dma_wait3A = tpu.memref_slice %arg3[%mul3A_4] : memref<64xf32, #tpu.memory_space<hbm>> -> memref<16xf32, #tpu.memory_space<hbm>>
        %dma_wait3A_1389 = tpu.memref_slice %arg3[%mul3A_4] : memref<64xf32, #tpu.memory_space<hbm>> -> memref<16xf32, #tpu.memory_space<hbm>>
        tpu.wait_dma2 semaphore(%run_scoped3A : memref<!tpu.dma_semaphore, #tpu.memory_space<semaphore_mem>>) src(%arg5 : memref<16xf32, #tpu.memory_space<vmem>>) dst(%dma_wait3A_1389 : memref<16xf32, #tpu.memory_space<hbm>>)
        tpu.yield
      }) : () -> ()
    } else {
    }
    return
  }
}

module attributes {stable_mosaic.version = 14 : i64} {
  func.func @_logits_kernel(%arg0: memref<64x2048xf32, #tpu.memory_space<vmem>>, %arg1: memref<64x2048xf32, #tpu.memory_space<vmem>>, %arg2: memref<128x2048xf32, #tpu.memory_space<vmem>>, %arg3: memref<64x64xf32, #tpu.memory_space<vmem>>, %arg4: memref<64x64xf32, #tpu.memory_space<vmem>>) attributes {dimension_semantics = [], scalar_prefetch = 0 : i64, scratch_operands = 0 : i64, tpu.core_type = #tpu.core_type<tc>} {
    %get3A = arith.constant 0 : index
    %get3A_0 = arith.constant 0 : index
    %get3A_1 = vector.load %arg0[%get3A, %get3A_0] : memref<64x2048xf32, #tpu.memory_space<vmem>>, vector<64x2048xf32>
    %get3A_2 = arith.constant 0 : index
    %get3A_3 = arith.constant 0 : index
    %get3A_4 = vector.load %arg1[%get3A_2, %get3A_3] : memref<64x2048xf32, #tpu.memory_space<vmem>>, vector<64x2048xf32>
    %dot_general3A = arith.constant dense<0.000000e+00> : vector<64x64xf32>
    %dot_general3A_5 = tpu.matmul %get3A_4, %get3A_1, %dot_general3A {dimension_numbers = #tpu.dot_dimension_numbers<[1], [1], [0], [0], [0, 0, 1, 0], [], []>, transpose_lhs_hint = false} : vector<64x2048xf32>, vector<64x2048xf32>, vector<64x64xf32> -> vector<64x64xf32>
    %get3A_6 = arith.constant 0 : index
    %get3A_7 = arith.constant 0 : index
    %get3A_8 = vector.load %arg2[%get3A_6, %get3A_7] : memref<128x2048xf32, #tpu.memory_space<vmem>>, vector<128x2048xf32>
    %dot_general3A_9 = arith.constant dense<0.000000e+00> : vector<128x64xf32>
    %dot_general3A_10 = tpu.matmul %get3A_8, %get3A_1, %dot_general3A_9 {dimension_numbers = #tpu.dot_dimension_numbers<[1], [1], [0], [0], [0, 0, 1, 0], [], []>, transpose_lhs_hint = false} : vector<128x2048xf32>, vector<64x2048xf32>, vector<128x64xf32> -> vector<128x64xf32>
    %slice3A = vector.extract_strided_slice %dot_general3A_10 {offsets = [0, 0], sizes = [64, 32], strides = [1, 1]} : vector<128x64xf32> to vector<64x32xf32>
    %slice3A_11 = vector.extract_strided_slice %dot_general3A_10 {offsets = [64, 32], sizes = [64, 32], strides = [1, 1]} : vector<128x64xf32> to vector<64x32xf32>
    %concatenate3A = tpu.concatenate %slice3A, %slice3A_11 in 1 : vector<64x32xf32>, vector<64x32xf32> -> vector<64x64xf32>
    %mul3A = arith.mulf %get3A_1, %get3A_1 : vector<64x2048xf32>
    %reduce_sum3A = arith.constant dense<0.000000e+00> : vector<64xf32>
    %reduce_sum3A_12 = vector.multi_reduction <add>, %mul3A, %reduce_sum3A [1] : vector<64x2048xf32> to vector<64xf32>
    %broadcast_in_dim3A = vector.shape_cast %reduce_sum3A_12 : vector<64xf32> to vector<1x64xf32>
    %mul3A_13 = arith.mulf %get3A_4, %get3A_4 : vector<64x2048xf32>
    %reduce_sum3A_14 = arith.constant dense<0.000000e+00> : vector<64xf32>
    %reduce_sum3A_15 = vector.multi_reduction <add>, %mul3A_13, %reduce_sum3A_14 [1] : vector<64x2048xf32> to vector<64xf32>
    %broadcast_in_dim3A_16 = vector.shape_cast %reduce_sum3A_15 : vector<64xf32> to vector<64x1xf32>
    %mul3A_17 = arith.constant 2.000000e+00 : f32
    %mul3A_18 = vector.broadcast %mul3A_17 : f32 to vector<64x64xf32>
    %mul3A_19 = arith.mulf %mul3A_18, %dot_general3A_5 : vector<64x64xf32>
    %sub3A = vector.broadcast %broadcast_in_dim3A : vector<1x64xf32> to vector<64x64xf32>
    %sub3A_20 = arith.subf %mul3A_19, %sub3A : vector<64x64xf32>
    %sub3A_21 = vector.broadcast %broadcast_in_dim3A_16 : vector<64x1xf32> to vector<64x64xf32>
    %sub3A_22 = arith.subf %sub3A_20, %sub3A_21 : vector<64x64xf32>
    %add3A = arith.addf %sub3A_22, %concatenate3A : vector<64x64xf32>
    %get3A_23 = arith.constant 0 : index
    %get3A_24 = arith.constant 0 : index
    %get3A_25 = vector.load %arg3[%get3A_23, %get3A_24] : memref<64x64xf32, #tpu.memory_space<vmem>>, vector<64x64xf32>
    %add3A_26 = arith.addf %add3A, %get3A_25 : vector<64x64xf32>
    %swap3A = arith.constant 0 : index
    %swap3A_27 = arith.constant 0 : index
    %swap3A_28 = vector.load %arg4[%swap3A, %swap3A_27] : memref<64x64xf32, #tpu.memory_space<vmem>>, vector<64x64xf32>
    tpu.vector_store %arg4[%swap3A, %swap3A_27], %add3A_26 {strides = array<i32>} : memref<64x64xf32, #tpu.memory_space<vmem>>, vector<64x64xf32>,
    return
  }
}

module attributes {stable_mosaic.version = 14 : i64} {
  func.func @_mlp_kernel(%arg0: i32, %arg1: memref<64x2048xf32, #tpu.memory_space<vmem>>, %arg2: memref<512x2048xf32, #tpu.memory_space<vmem>>, %arg3: memref<1x512xf32, #tpu.memory_space<vmem>>, %arg4: memref<2048x512xf32, #tpu.memory_space<vmem>>, %arg5: memref<64x2048xf32, #tpu.memory_space<vmem>>) attributes {dimension_semantics = [#tpu.dimension_semantics<arbitrary>], iteration_bounds = array<i64: 16>, scalar_prefetch = 0 : i64, scratch_operands = 0 : i64, tpu.core_type = #tpu.core_type<tc>, window_params = [{pipeline_mode = #tpu.pipeline_mode<synchronous>, transform_indices = @transform_0, window_bounds = array<i64: 64, 2048>}, {transform_indices = @transform_1, window_bounds = array<i64: 512, 2048>}, {transform_indices = @transform_2, window_bounds = array<i64: 1, 512>}, {transform_indices = @transform_3, window_bounds = array<i64: 2048, 512>}, {pipeline_mode = #tpu.pipeline_mode<synchronous>, transform_indices = @transform_4, window_bounds = array<i64: 64, 2048>}]} {
    %get3A = arith.constant 0 : index
    %get3A_0 = arith.constant 0 : index
    %get3A_1 = vector.load %arg1[%get3A, %get3A_0] : memref<64x2048xf32, #tpu.memory_space<vmem>>, vector<64x2048xf32>
    %get3A_2 = arith.constant 0 : index
    %get3A_3 = arith.constant 0 : index
    %get3A_4 = vector.load %arg2[%get3A_2, %get3A_3] : memref<512x2048xf32, #tpu.memory_space<vmem>>, vector<512x2048xf32>
    %dot_general3A = arith.constant dense<0.000000e+00> : vector<64x512xf32>
    %dot_general3A_5 = tpu.matmul %get3A_1, %get3A_4, %dot_general3A {dimension_numbers = #tpu.dot_dimension_numbers<[1], [1], [0], [0], [0, 0, 1, 0], [], []>, transpose_lhs_hint = false} : vector<64x2048xf32>, vector<512x2048xf32>, vector<64x512xf32> -> vector<64x512xf32>
    %get3A_6 = arith.constant 0 : index
    %get3A_7 = arith.constant 0 : index
    %get3A_8 = vector.load %arg3[%get3A_6, %get3A_7] : memref<1x512xf32, #tpu.memory_space<vmem>>, vector<1x512xf32>
    %add3A = vector.broadcast %get3A_8 : vector<1x512xf32> to vector<64x512xf32>
    %add3A_9 = arith.addf %dot_general3A_5, %add3A : vector<64x512xf32>
    %mul3A = arith.constant 5.000000e-01 : f32
    %mul3A_10 = vector.broadcast %mul3A : f32 to vector<64x512xf32>
    %mul3A_11 = arith.mulf %mul3A_10, %add3A_9 : vector<64x512xf32>
    %mul3A_12 = arith.constant 0.707106769 : f32
    %mul3A_13 = vector.broadcast %mul3A_12 : f32 to vector<64x512xf32>
    %mul3A_14 = arith.mulf %add3A_9, %mul3A_13 : vector<64x512xf32>
    %erf3A = math.erf %mul3A_14 : vector<64x512xf32>
    %add3A_15 = arith.constant 1.000000e+00 : f32
    %add3A_16 = vector.broadcast %add3A_15 : f32 to vector<64x512xf32>
    %add3A_17 = arith.addf %add3A_16, %erf3A : vector<64x512xf32>
    %mul3A_18 = arith.mulf %mul3A_11, %add3A_17 : vector<64x512xf32>
    %get3A_19 = arith.constant 0 : index
    %get3A_20 = arith.constant 0 : index
    %get3A_21 = vector.load %arg4[%get3A_19, %get3A_20] : memref<2048x512xf32, #tpu.memory_space<vmem>>, vector<2048x512xf32>
    %dot_general3A_22 = arith.constant dense<0.000000e+00> : vector<64x2048xf32>
    %dot_general3A_23 = tpu.matmul %mul3A_18, %get3A_21, %dot_general3A_22 {dimension_numbers = #tpu.dot_dimension_numbers<[1], [1], [0], [0], [0, 0, 1, 0], [], []>, transpose_lhs_hint = false} : vector<64x512xf32>, vector<2048x512xf32>, vector<64x2048xf32> -> vector<64x2048xf32>
    %eq3A = arith.constant 0 : i32
    %eq3A_24 = arith.cmpi eq, %arg0, %eq3A : i32
    %convert_element_type3A = arith.extui %eq3A_24 : i1 to i32
    %cond3A = arith.constant 0 : i32
    %cond3A_25 = arith.cmpi ne, %convert_element_type3A, %cond3A : i32
    scf.if %cond3A_25 {
      %swap3A = arith.constant 0 : index
      %swap3A_30 = arith.constant 0 : index
      %swap3A_31 = vector.load %arg5[%swap3A, %swap3A_30] : memref<64x2048xf32, #tpu.memory_space<vmem>>, vector<64x2048xf32>
      tpu.vector_store %arg5[%swap3A, %swap3A_30], %dot_general3A_23 {strides = array<i32>} : memref<64x2048xf32, #tpu.memory_space<vmem>>, vector<64x2048xf32>,
    } else {
    }
    %gt3A = arith.constant 0 : i32
    %gt3A_26 = arith.cmpi sgt, %arg0, %gt3A : i32
    %convert_element_type3A_27 = arith.extui %gt3A_26 : i1 to i32
    %cond3A_28 = arith.constant 0 : i32
    %cond3A_29 = arith.cmpi ne, %convert_element_type3A_27, %cond3A_28 : i32
    scf.if %cond3A_29 {
      %get3A_30 = arith.constant 0 : index
      %get3A_31 = arith.constant 0 : index
      %get3A_32 = vector.load %arg5[%get3A_30, %get3A_31] : memref<64x2048xf32, #tpu.memory_space<vmem>>, vector<64x2048xf32>
      %add3A_33 = arith.addf %get3A_32, %dot_general3A_23 : vector<64x2048xf32>
      %swap3A = arith.constant 0 : index
      %swap3A_34 = arith.constant 0 : index
      %swap3A_35 = vector.load %arg5[%swap3A, %swap3A_34] : memref<64x2048xf32, #tpu.memory_space<vmem>>, vector<64x2048xf32>
      tpu.vector_store %arg5[%swap3A, %swap3A_34], %add3A_33 {strides = array<i32>} : memref<64x2048xf32, #tpu.memory_space<vmem>>, vector<64x2048xf32>,
    } else {
    }
    return
  }
  func.func @transform_0(%arg0: i32) -> (i32, i32) {
    %c0_i32 = arith.constant 0 : i32
    %c0_i32_0 = arith.constant 0 : i32
    %c0_i32_1 = arith.constant 0 : i32
    return %c0_i32, %c0_i32_0 : i32, i32
  }
  func.func @transform_1(%arg0: i32) -> (i32, i32) {
    %c0_i32 = arith.constant 0 : i32
    %c0_i32_0 = arith.constant 0 : i32
    return %arg0, %c0_i32 : i32, i32
  }
  func.func @transform_2(%arg0: i32) -> (i32, i32) {
    %c0_i32 = arith.constant 0 : i32
    %c0_i32_0 = arith.constant 0 : i32
    return %c0_i32, %arg0 : i32, i32
  }
  func.func @transform_3(%arg0: i32) -> (i32, i32) {
    %c0_i32 = arith.constant 0 : i32
    %c0_i32_0 = arith.constant 0 : i32
    return %c0_i32, %arg0 : i32, i32
  }
  func.func @transform_4(%arg0: i32) -> (i32, i32) {
    %c0_i32 = arith.constant 0 : i32
    %c0_i32_0 = arith.constant 0 : i32
    %c0_i32_1 = arith.constant 0 : i32
    return %c0_i32, %c0_i32_0 : i32, i32
  }
}

module attributes {stable_mosaic.version = 14 : i64} {
  func.func @_combine_kernel(%arg0: memref<64x2048xf32, #tpu.memory_space<vmem>>, %arg1: memref<1x2048xf32, #tpu.memory_space<vmem>>, %arg2: memref<64x1xf32, #tpu.memory_space<vmem>>, %arg3: memref<32x2048xf32, #tpu.memory_space<vmem>>) attributes {dimension_semantics = [], scalar_prefetch = 0 : i64, scratch_operands = 0 : i64, tpu.core_type = #tpu.core_type<tc>} {
    %get3A = arith.constant 0 : index
    %get3A_0 = arith.constant 0 : index
    %get3A_1 = vector.load %arg0[%get3A, %get3A_0] : memref<64x2048xf32, #tpu.memory_space<vmem>>, vector<64x2048xf32>
    %get3A_2 = arith.constant 0 : index
    %get3A_3 = arith.constant 0 : index
    %get3A_4 = vector.load %arg1[%get3A_2, %get3A_3] : memref<1x2048xf32, #tpu.memory_space<vmem>>, vector<1x2048xf32>
    %add3A = vector.broadcast %get3A_4 : vector<1x2048xf32> to vector<64x2048xf32>
    %add3A_5 = arith.addf %get3A_1, %add3A : vector<64x2048xf32>
    %get3A_6 = arith.constant 0 : index
    %get3A_7 = arith.constant 0 : index
    %get3A_8 = vector.load %arg2[%get3A_6, %get3A_7] : memref<64x1xf32, #tpu.memory_space<vmem>>, vector<64x1xf32>
    %mul3A = vector.broadcast %get3A_8 : vector<64x1xf32> to vector<64x2048xf32>
    %mul3A_9 = arith.mulf %add3A_5, %mul3A : vector<64x2048xf32>
    %slice3A = vector.extract_strided_slice %mul3A_9 {offsets = [0, 0], sizes = [32, 2048], strides = [1, 1]} : vector<64x2048xf32> to vector<32x2048xf32>
    %slice3A_10 = vector.extract_strided_slice %mul3A_9 {offsets = [32, 0], sizes = [32, 2048], strides = [1, 1]} : vector<64x2048xf32> to vector<32x2048xf32>
    %add3A_11 = arith.addf %slice3A, %slice3A_10 : vector<32x2048xf32>
    %swap3A = arith.constant 0 : index
    %swap3A_12 = arith.constant 0 : index
    %swap3A_13 = vector.load %arg3[%swap3A, %swap3A_12] : memref<32x2048xf32, #tpu.memory_space<vmem>>, vector<32x2048xf32>
    tpu.vector_store %arg3[%swap3A, %swap3A_12], %add3A_11 {strides = array<i32>} : memref<32x2048xf32, #tpu.memory_space<vmem>>, vector<32x2048xf32>,
    return
  }
}

</mosaic_0001>

<sc_bundles>
// kernel: kernel.6.cloned.1.call-start
scs
__scs_entry_jumppad:
0x0: {  	(pc) =	sbr.rel $0x88, $3  }
0x1: {  	(tag) =	ssettag $0x0;
	lr =	simm.s32 $0x1  }
0x2: {  	[smem:$0x3F99] =	sst lr;
	_ =	strace $0xD0000000  }
0x3: {  	_ = 	snop  }
0x4: {  	_ = 	snop  }
0x5: {  	_ = 	snop  }
0x6: {  	_ = 	snop  }
0x7: {  	_ = 	snop  }
__scs_overlays_trampoline_lowered:
0x8: {  	[smem:$0x3FA8] =	sst s0  }
0x9: {  	[smem:$0x3FA9] =	sst s1  }
0xa: {  	[smem:$0x3FAA] =	sst s2  }
0xb: {  	[smem:$0x3FAB] =	sst s3  }
0xc: {  	[smem:$0x3FAC] =	sst s4  }
0xd: {  	[smem:$0x3FAD] =	sst s5  }
0xe: {  	[smem:$0x3FAE] =	sst s6  }
0xf: {  	[smem:$0x3FAF] =	sst s7  }
0x10: {  	[smem:$0x3FB0] =	sst s8  }
0x11: {  	[smem:$0x3FB1] =	sst s9;
	s0 =	simm.s32 @!p0 $0x0  }
0x12: {  	s1 =	sld [smem:$0x3F97];
	s0 =	simm.s32 @p0 $0x1  }
0x13: {  	[smem:$0x3FB2] =	sst s0;
	s0 =	simm.s32 @!p1 $0x0  }
0x14: {  	s2 =	sld [smem:$0x3F96];
	s0 =	simm.s32 @p1 $0x1  }
0x15: {  	[smem:$0x3FB3] =	sst s0;
	s0 =	simm.s32 @!p2 $0x0  }
0x16: {  	s3 =	sld [smem:$0x3FDB];
	s0 =	simm.s32 @p2 $0x1  }
0x17: {  	s4 =	simm.s32 $0x1BF5;
	[smem:$0x3FB5] =	sst s0  }
0x18: {  	s0 =	sld [smem:$0x3F98];
	_ =	swait.ge [sflag:s4], $0x0  }
0x19: {  	s7 =	sld [smem:$0x3F99]  }
0x1a: {  	s8 =	sadd.s32 $0xFFFFE003, lr  }
0x1b: {  	s9 =	sadd.s32 $0xFFFFFEF7, lr;
	s5 =	simm.s32 $0xFFFFFFFF;
	p2 =	slt.u32 s8, $0xFFFFF086  }
0x1c: {  	p1 =	slt.u32 s9, $0xF7A;
	s5 =	simm.s32 @!p2 $0x0  }
0x1d: {  	s5 =	simm.s32 @p1 $0x1;
	p0 =	seq.s32 s7, s2  }
0x1e: {  	s7 =	smul.u32 @!p0 $0xF7A, s2;
	p2 =	seq.s32 @!p0 s5, $0x0  }
0x1f: {  	s9 =	smul.u32 $0xF7A, s1;
	s8 =	simm.s32 @!p0 $0x1BF5;
	p2 =	por !p2, p0  }
0x20: {  	[sflag:s8] =	ssyncset.s32 @!p0 $0xFFFFF086;
	s6 =	sadd.s32 @!p0 s3, s7;
	s7 =	simm.s32 @!p0 $0x108  }
0x21: {  	s3 =	sadd.s32 s3, s9;
	s6 =	sadd.s32 @!p0 $0x88, s6;
	s7 =	simm.s32 @p2 $0x1082  }
0x22: {  	[simem:s7], [sflag:s8] =	dma.local @!p0 [hbm:s6], $0xF7A  }
0x23: {  	s9 =	sor.u32 $0xD0000000, s2;
	s6 =	simm.s32 $0x108;
	_ =	swait.ge @!p0 [sflag:s8], $0x0  }
0x24: {  	s3 =	sadd.s32 $0x88, s3;
	s6 =	simm.s32 @!p1 $0x1082;
	[sflag:s4] =	ssyncset.s32 $0xFFFFF086  }
0x25: {  	[simem:s6], [sflag:s4] =	dma.local [hbm:s3], $0xF7A  }
0x26: {  	[smem:$0x3F99] =	sst s1;
	(tag) =	ssettag s2;
	_ =	strace s9  }
0x27: {  	s1 =	sld [smem:$0x3FA9]  }
0x28: {  	s2 =	sld [smem:$0x3FAA]  }
0x29: {  	s4 =	sld [smem:$0x3FAC]  }
0x2a: {  	p0 =	seq.s32 s5, $0x0;
	s5 =	sld [smem:$0x3FAD]  }
0x2b: {  	s6 =	sld [smem:$0x3FAE]  }
0x2c: {  	s7 =	sld [smem:$0x3FAF]  }
0x2d: {  	s3 =	simm.s32 $0x108;
	s8 =	sld [smem:$0x3FB0]  }
0x2e: {  	s3 =	simm.s32 @!p0 $0x1082;
	s9 =	sld [smem:$0x3FB1]  }
0x2f: {  	lr =	sadd.s32 s0, s3;
	s0 =	sld [smem:$0x3FA8]  }
0x30: {  	s3 =	sld [smem:$0x3FAB]  }
0x31: {  	[smem:$0x3FB4] =	sst s10  }
0x32: {  	s10 =	sld [smem:$0x3FB2];
	_ =	sdelay $0x3  }
0x33: {  	p0 =	seq.s32 s10, $0x1;
	s10 =	sld [smem:$0x3FB4];
	_ =	sdelay $0x3  }
0x34: {  	[smem:$0x3FB4] =	sst s10  }
0x35: {  	s10 =	sld [smem:$0x3FB3];
	_ =	sdelay $0x3  }
0x36: {  	p1 =	seq.s32 s10, $0x1;
	s10 =	sld [smem:$0x3FB4];
	_ =	sdelay $0x3  }
0x37: {  	[smem:$0x3FB4] =	sst s10  }
0x38: {  	s10 =	sld [smem:$0x3FB5]  }
0x39: {  	_ = 	snop;
	(pc) =	sbr.ind lr, $3  }
0x3a: {  	_ = 	snop  }
0x3b: {  	_ = 	snop  }
0x3c: {  	p2 =	seq.s32 s10, $0x1;
	s10 =	sld [smem:$0x3FB4]  }
0x3d: {  	_ =	shalt  }
0x3e: {  	_ =	shalt  }
0x3f: {  	_ =	shalt  }
0x40: {  	_ =	shalt  }
0x41: {  	_ =	shalt  }
0x42: {  	_ =	shalt  }
0x43: {  	_ =	shalt  }
0x44: {  	_ =	shalt  }
0x45: {  	_ =	shalt  }
0x46: {  	_ =	shalt  }
0x47: {  	_ =	shalt  }
0x48: {  	_ =	shalt  }
0x49: {  	_ =	shalt  }
0x4a: {  	_ =	shalt  }
0x4b: {  	_ =	shalt  }
0x4c: {  	_ =	shalt  }
0x4d: {  	_ =	shalt  }
0x4e: {  	_ =	shalt  }
0x4f: {  	_ =	shalt  }
0x50: {  	_ =	shalt  }
0x51: {  	_ =	shalt  }
0x52: {  	_ =	shalt  }
0x53: {  	_ =	shalt  }
0x54: {  	_ =	shalt  }
0x55: {  	_ =	shalt  }
0x56: {  	_ =	shalt  }
0x57: {  	_ =	shalt  }
0x58: {  	_ =	shalt  }
0x59: {  	_ =	shalt  }
0x5a: {  	_ =	shalt  }
0x5b: {  	_ =	shalt  }
0x5c: {  	_ =	shalt  }
0x5d: {  	_ =	shalt  }
0x5e: {  	_ =	shalt  }
0x5f: {  	_ =	shalt  }
0x60: {  	_ =	shalt  }
0x61: {  	_ =	shalt  }
0x62: {  	_ =	shalt  }
0x63: {  	_ =	shalt  }
0x64: {  	_ =	shalt  }
0x65: {  	_ =	shalt  }
0x66: {  	_ =	shalt  }
0x67: {  	_ =	shalt  }
0x68: {  	_ =	shalt  }
0x69: {  	_ =	shalt  }
0x6a: {  	_ =	shalt  }
0x6b: {  	_ =	shalt  }
0x6c: {  	_ =	shalt  }
0x6d: {  	_ =	shalt  }
0x6e: {  	_ =	shalt  }
0x6f: {  	_ =	shalt  }
0x70: {  	_ =	shalt  }
0x71: {  	_ =	shalt  }
0x72: {  	_ =	shalt  }
0x73: {  	_ =	shalt  }
0x74: {  	_ =	shalt  }
0x75: {  	_ =	shalt  }
0x76: {  	_ =	shalt  }
0x77: {  	_ =	shalt  }
0x78: {  	_ =	shalt  }
0x79: {  	_ =	shalt  }
0x7a: {  	_ =	shalt  }
0x7b: {  	_ =	shalt  }
0x7c: {  	_ =	shalt  }
0x7d: {  	_ =	shalt  }
0x7e: {  	_ =	shalt  }
0x7f: {  	_ =	shalt  }
0x80: {  	_ =	shalt  }
0x81: {  	_ =	shalt  }
0x82: {  	_ =	shalt  }
0x83: {  	_ =	shalt  }
0x84: {  	_ =	shalt  }
0x85: {  	_ =	shalt  }
0x86: {  	_ =	shalt  }
0x87: {  	_ =	shalt  }
.Lfunc_end0:
.L_simem_size_0:
called_computation_lowered:
.L_overlay_start_0:
0x88: {  	s2 =	sld [smem:$0x3FD9]  }
0x89: {  	s3 =	sld [smem:$0x3FFE];
	_ =	sdelay $0x1  }
0x8a: {  	s1 =	srdreg.scid  }
0x8b: {  	s0 =	sand.u32 $0x1, s1  }
0x8c: {  	s17 =	sshll.u32 s0, $0xA;
	s2 =	sadd.s32 s3, s2  }
0x8d: {  	s2 =	sadd.s32 s2, s17  }
0x8e: {  	[smem:$0x3FC0] =	sst s2  }
0x8f: {  	_ = 	snop  }
0x90: {  	s2 =	sld [smem:$0x3FD0];
	(tm) =	ssettm $0x1  }
0x91: {  	s18 =	sld [smem:$0x3FFB];
	_ =	sdelay $0x3  }
0x92: {  	_ =	strace s18  }
0x93: {  	s3 =	sld [smem:$0x3FFC];
	_ =	sdelay $0x3  }
0x94: {  	_ =	strace s3  }
0x95: {  	s3 =	sld [smem:$0x3FFD];
	_ =	sdelay $0x3  }
0x96: {  	_ =	strace s3  }
0x97: {  	_ =	strace $0x8FFFFFFF  }
0x98: {  	s19 =	sld [smem:$0x3FDB];
	_ =	sdelay $0x1  }
0x99: {  	s4 =	simm.s32 $_scs_section_size  }
0x9a: {  	s5 =	simm.s32 $_size__tile_overlayer_lowered;
	s6 =	simm.s32 $_tile_overlayer_lowered  }
0x9b: {  	s22 =	simm.s32 $0x1BFF;
	s21 =	sshll.u32 s6, $0x1;
	s3 =	sadd.s32 s4, s19  }
0x9c: {  	s7 =	simm.s32 $0x0;
	s20 =	sshll.u32 s5, $0x1;
	s5 =	sadd.s32 s21, s3  }
0x9d: {  	[timem:s7], [sflag:s22] =	dma.local [hbm:s5], s20  }
0x9e: {  	_ =	swait.ge [sflag:s22], s20  }
0x9f: {  	s4 =	ssub.s32 $0x0, s20;
	[sflag:s22] =	ssyncset.done $0x0  }
0xa0: {  	[sflag:s22] =	ssyncadd.s32 s4;
	_ =	sdelay $0x1  }
0xa1: {  	s23 =	simm.s32 $0x1B8B  }
0xa2: {  	_ =	swait.ge [sflag:s23], $0x1  }
0xa3: {  	[sflag:s23] =	ssyncset.done $0x0  }
0xa4: {  	s25 =	simm.s32 $0x1B8E;
	s24 =	sld [smem:$0x3FFE];
	[sflag:s23] =	ssyncadd.s32 $0xFFFFFFFF  }
0xa5: {  	s26 =	simm.s32 $execute0_lowered;
	[smem:$0x3FD2] =	sst s25  }
0xa6: {  	s5 =	sshll.u32 s26, $0x1;
	_ =	strace $0x80000046;
	[dreg:$0x1] =	wrdreg $0xFFFFFFFF  }
0xa7: {  	s28 =	simm.s32 $_size_execute0_lowered;
	s3 =	sadd.s32 s3, s5;
	[dreg:$0x0] =	wrdreg $0x0  }
0xa8: {  	s5 =	sshll.u32 s28, $0x1;
	[dreg:$0x2] =	wrdreg s3  }
0xa9: {  	[dreg:$0x3] =	wrdreg s5  }
0xaa: {  	[dreg:$0x4] =	wrdreg $0xC0  }
0xab: {  	_ =	task [dreg:s7], $0x5FFFF  }
0xac: {  	[dreg:$0x1] =	wrdreg $0xFFFFFFFF  }
0xad: {  	[dreg:$0x0] =	wrdreg $0x60  }
0xae: {  	[dreg:$0x2] =	wrdreg s2  }
0xaf: {  	[dreg:$0x3] =	wrdreg s24  }
0xb0: {  	[dreg:$0x4] =	wrdreg $0x9  }
0xb1: {  	_ =	task.clear_ibuf [dreg:s7], $0x5FFFF;
	_ =	strace $0x90000046  }
0xb2: {  	s29 =	simm.s32 $0x9;
	_ =	strace $0x80000048  }
0xb3: {  	_ =	swait.ge [sflag:s29], $0x1  }
0xb4: {  	[sflag:s29] =	ssyncadd.s32 $0xFFFFFFFF  }
0xb5: {  	_ =	strace $0x90000048  }
0xb6: {  	_ =	sfence  }
0xb7: {  	s30 =	sld [smem:$0x0];
	_ =	sdelay $0x2  }
0xb8: {  	s31 =	sshll.u32 s1, $0xD;
	s1 =	sshrl.u32 s1, $0x2  }
0xb9: {  	s3 =	sand.u32 $0x4000, s31;
	s1 =	sadd.s32 s1, s30  }
0xba: {  	s0 =	sor.u32 s3, s0;
	s1 =	sshll.u32 s1, $0x11  }
0xbb: {  	s0 =	sor.u32 s1, s0  }
0xbc: {  	s0 =	sadd.s32 $0x8F2B, s0  }
0xbd: {  	[sflag:s0] =	ssyncadd.remote.s32 $0x1  }
0xbe: {  	_ =	sfence.sel $0xFFFF  }
0xbf: {  	[dreg:$0x0] =	wrdreg $0xFFFFFFFF;
	(pc) =	sbr.abs _section_cstart, $3  }
0xc0: {  	[dreg:$0x1] =	wrdreg $0xFFFFFFFF  }
0xc1: {  	_ =	task.clear_ibuf [dreg:s7], $0x2FFFF;
	_ =	strace $0x9FFFFFFF  }
0xc2: {  	(tm) =	ssettm $0x7FFFFFFF  }
0xc3: {  	_ =	shalt  }
tec
execute0_lowered:
.L_overlay_start_1:
0x0: {  	(tag) =	ssettag $0x1  }
0x1: {  	s1 =	stileid.u32  }
0x2: {  	p0 =	sgt.u32 s1, $0x1  }
.Ltmp0:
0x3: {  	_ = 	snop;
	(pc) =	sbr.rel @p0 .LBB2_3-.Ltmp0, $4  }
0x4: {  	s2 =	rddreg [dreg:$0x0]  }
0x5: {  	s4 =	rddreg [dreg:$0x1];
	s3 =	simm.s32 $0x0  }
0x6: {  	[smem:$0x7FF] =	sst s3  }
0x7: {  	s0 =	rddreg [dreg:$0x2];
	_ =	strace $0x80000047  }
0x8: {  	s5 =	srdreg.scid  }
0x9: {  	s6 =	sshll.u32 s1, $0x1;
	s5 =	sand.u32 $0x1, s5  }
0xa: {  	s6 =	sor.u32 s5, s6  }
0xb: {  	s8 =	ssub.s32 $0x2, s5;
	s7 =	sshll.u32 s6, $0x1  }
0xc: {  	s30 =	sshrl.u32 s8, $0x1;
	s29 =	sadd.s32 s7, s4  }
0xd: {  	s4 =	sshll.u32 s6, $0x4;
	s31 =	ssub.s32 s8, s30;
	s7 =	simm.s32 $0x1  }
0xe: {  	s8 =	simm.s32 $0x2000;
	s5 =	sadd.s32 $0x1000, s29;
	s6 =	smax.u32 s31, $0x1  }
.LBB2_2:
0xf: {  	[tilespmem:s3], [sflag:$0x1] =	stream.linear.gather [hbm4b:s2+s3], $0x2000, $0x38;
	[tilespmem:$0x2080] =	vst v63  }
0x10: {  	_ =	swait.ge [sflag:s7], $0x2000  }
0x11: {  	[sflag:s7] =	ssyncset.done $0x0  }
0x12: {  	[sflag:s7] =	ssyncadd.s32 $0xFFFFE000  }
0x13: {  	v0 =	vld [tilespmem:s4+$0x0]  }
0x14: {  	v1 =	vld [tilespmem:s4+$0x80]  }
0x15: {  	v2 =	vld [tilespmem:s4+$0x100];
	_ =	sdelay $0x1  }
0x16: {  	v3 =	vld [tilespmem:s4+$0x180]  }
0x17: {  	v4 =	vmax.f32 v0, $-1.000000020e+30;
	v0 =	vmin.f32 v0, $-1.000000020e+30  }
0x18: {  	v7 =	vld [tilespmem:s4+$0x200];
	v0 =	vmax.f32 v0, $-1.000000020e+30;
	v5 =	vmax.f32 v4, v1;
	v1 =	vmin.f32 v4, v1  }
0x19: {  	v4 =	vmax.f32 v0, v1;
	v1 =	vmin.f32 v0, v1;
	v6 =	vmin.f32 v5, v2  }
0x1a: {  	v8 =	vld [tilespmem:s4+$0x280];
	v63 =	vmax.f32 v5, v2;
	v0 =	vmax.f32 v0, v1;
	v11 =	vmin.f32 v4, v6  }
0x1b: {  	v4 =	vmax.f32 v4, v6;
	v13 =	vmin.f32 v63, v3;
	v1 =	vmax.f32 v63, v3  }
0x1c: {  	v12 =	vmin.f32 v0, v11;
	v2 =	vmax.f32 v0, v11;
	v14 =	vmin.f32 v4, v13  }
0x1d: {  	v9 =	vld [tilespmem:s4+$0x300];
	v15 =	vmax.f32 v4, v13;
	v18 =	vmin.f32 v1, v7;
	v1 =	vmax.f32 v1, v7  }
0x1e: {  	v0 =	vmax.f32 v0, v12;
	v16 =	vmin.f32 v2, v14;
	v2 =	vmax.f32 v2, v14  }
0x1f: {  	v19 =	vmin.f32 v15, v18;
	v3 =	vmax.f32 v15, v18;
	v7 =	vmin.f32 v1, v8  }
0x20: {  	v26 =	vld [tilespmem:s4+$0x380];
	v1 =	vmax.f32 v1, v8;
	v17 =	vmin.f32 v0, v16;
	v4 =	vmax.f32 v0, v16  }
0x21: {  	v20 =	vmin.f32 v2, v19;
	v2 =	vmax.f32 v2, v19;
	v10 =	vmin.f32 v3, v7  }
0x22: {  	v3 =	vmax.f32 v3, v7;
	v28 =	vmin.f32 v1, v9;
	v1 =	vmax.f32 v1, v9  }
0x23: {  	v0 =	vmax.f32 v0, v17;
	v21 =	vmin.f32 v4, v20;
	v4 =	vmax.f32 v4, v20  }
0x24: {  	v23 =	vmin.f32 v2, v10;
	v2 =	vmax.f32 v2, v10;
	v29 =	vmin.f32 v3, v28  }
0x25: {  	v3 =	vmax.f32 v3, v28;
	v32 =	vmin.f32 v1, v26;
	v1 =	vmax.f32 v1, v26  }
0x26: {  	v11 =	vld [tilespmem:s4+$0x400];
	v22 =	vmin.f32 v0, v21;
	v5 =	vmax.f32 v0, v21;
	v24 =	vmin.f32 v4, v23  }
0x27: {  	v4 =	vmax.f32 v4, v23;
	v30 =	vmin.f32 v2, v29;
	v2 =	vmax.f32 v2, v29  }
0x28: {  	v34 =	vmin.f32 v3, v32;
	v3 =	vmax.f32 v3, v32;
	v0 =	vmax.f32 v0, v22  }
0x29: {  	v39 =	vld [tilespmem:s4+$0x480];
	v25 =	vmin.f32 v5, v24;
	v5 =	vmax.f32 v5, v24;
	v31 =	vmax.f32 v4, v30  }
0x2a: {  	v4 =	vmin.f32 v4, v30;
	v13 =	vmin.f32 v2, v34;
	v2 =	vmax.f32 v2, v34  }
0x2b: {  	v41 =	vmin.f32 v1, v11;
	v1 =	vmax.f32 v1, v11;
	v27 =	vmin.f32 v0, v25  }
0x2c: {  	v48 =	vld [tilespmem:s4+$0x500];
	v6 =	vmax.f32 v0, v25;
	v9 =	vmax.f32 v5, v4;
	v4 =	vmin.f32 v5, v4  }
0x2d: {  	v35 =	vmin.f32 v31, v13;
	v37 =	vmax.f32 v31, v13;
	v42 =	vmin.f32 v3, v41  }
0x2e: {  	v3 =	vmax.f32 v3, v41;
	v45 =	vmin.f32 v1, v39;
	v1 =	vmax.f32 v1, v39  }
0x2f: {  	v0 =	vmax.f32 v0, v27;
	v33 =	vmax.f32 v6, v4;
	v4 =	vmin.f32 v6, v4  }
0x30: {  	v55 =	vld [tilespmem:s4+$0x580];
	v36 =	vmin.f32 v9, v35;
	v43 =	vmin.f32 v2, v42;
	v2 =	vmax.f32 v2, v42  }
0x31: {  	v47 =	vmin.f32 v3, v45;
	v3 =	vmax.f32 v3, v45;
	v57 =	vmin.f32 v1, v48  }
0x32: {  	v1 =	vmax.f32 v1, v48;
	v12 =	vmax.f32 v0, v4;
	v4 =	vmin.f32 v0, v4  }
0x33: {  	v38 =	vmin.f32 v33, v36;
	v5 =	vmax.f32 v33, v36;
	v44 =	vmax.f32 v37, v43  }
0x34: {  	v63 =	vld [tilespmem:s4+$0x600];
	v6 =	vmin.f32 v37, v43;
	v50 =	vmin.f32 v2, v47;
	v2 =	vmax.f32 v2, v47  }
0x35: {  	v58 =	vmin.f32 v3, v57;
	v3 =	vmax.f32 v3, v57;
	v61 =	vmin.f32 v1, v55  }
0x36: {  	v1 =	vmax.f32 v1, v55;
	v0 =	vmax.f32 v0, v4;
	v4 =	vmax.f32 v9, v35  }
0x37: {  	v40 =	vmin.f32 v12, v38;
	v7 =	vmax.f32 v12, v38;
	v51 =	vmin.f32 v44, v50  }
0x38: {  	v21 =	vld [tilespmem:s4+$0x680];
	v53 =	vmax.f32 v44, v50;
	v59 =	vmin.f32 v2, v58;
	v2 =	vmax.f32 v2, v58  }
0x39: {  	v62 =	vmin.f32 v3, v61;
	v3 =	vmax.f32 v3, v61;
	v23 =	vmin.f32 v1, v63  }
0x3a: {  	v1 =	vmax.f32 v1, v63;
	v0 =	vmax.f32 v0, v40;
	v10 =	vmax.f32 v4, v6  }
0x3b: {  	v4 =	vmin.f32 v4, v6;
	v60 =	vmax.f32 v53, v59;
	v6 =	vmin.f32 v53, v59  }
0x3c: {  	v29 =	vld [tilespmem:s4+$0x700];
	v16 =	vmin.f32 v2, v62;
	v2 =	vmax.f32 v2, v62;
	v24 =	vmin.f32 v3, v23  }
0x3d: {  	v3 =	vmax.f32 v3, v23;
	v27 =	vmin.f32 v1, v21;
	v1 =	vmax.f32 v1, v21  }
0x3e: {  	v46 =	vmax.f32 v5, v4;
	v4 =	vmin.f32 v5, v4;
	v52 =	vmin.f32 v10, v51  }
0x3f: {  	v17 =	vmin.f32 v60, v16;
	v19 =	vmax.f32 v60, v16;
	v25 =	vmin.f32 v2, v24  }
0x40: {  	v2 =	vmax.f32 v2, v24;
	v28 =	vmin.f32 v3, v27;
	v3 =	vmax.f32 v3, v27  }
0x41: {  	v37 =	vmin.f32 v1, v29;
	v1 =	vmax.f32 v1, v29;
	v49 =	vmax.f32 v7, v4  }
0x42: {  	v4 =	vmin.f32 v7, v4;
	v54 =	vmin.f32 v46, v52;
	v5 =	vmax.f32 v46, v52  }
0x43: {  	v26 =	vmax.f32 v19, v25;
	v30 =	vmin.f32 v2, v28;
	v2 =	vmax.f32 v2, v28  }
0x44: {  	v35 =	vld [tilespmem:s4+$0x780];
	v38 =	vmin.f32 v3, v37;
	v3 =	vmax.f32 v3, v37;
	v0 =	vmax.f32 v0, v4  }
0x45: {  	v4 =	vmax.f32 v10, v51;
	v56 =	vmin.f32 v49, v54;
	v7 =	vmax.f32 v49, v54  }
0x46: {  	v43 =	vld [tilespmem:s4+$0x800];
	v31 =	vmin.f32 v26, v30;
	v33 =	vmax.f32 v26, v30;
	v39 =	vmin.f32 v2, v38  }
0x47: {  	v2 =	vmax.f32 v2, v38;
	v0 =	vmax.f32 v0, v56;
	v10 =	vmax.f32 v4, v6  }
0x48: {  	v4 =	vmin.f32 v4, v6;
	v6 =	vmin.f32 v19, v25;
	v40 =	vmax.f32 v33, v39  }
0x49: {  	v41 =	vmin.f32 v1, v35;
	v1 =	vmax.f32 v1, v35;
	v11 =	vmax.f32 v5, v4  }
0x4a: {  	v4 =	vmin.f32 v5, v4;
	v18 =	vmin.f32 v10, v17;
	v42 =	vmin.f32 v3, v41  }
0x4b: {  	v3 =	vmax.f32 v3, v41;
	v51 =	vmin.f32 v1, v43;
	v1 =	vmax.f32 v1, v43  }
0x4c: {  	v13 =	vmax.f32 v7, v4;
	v4 =	vmin.f32 v7, v4;
	v20 =	vmin.f32 v11, v18  }
0x4d: {  	v5 =	vmax.f32 v11, v18;
	v44 =	vmin.f32 v2, v42;
	v2 =	vmax.f32 v2, v42  }
0x4e: {  	v49 =	vld [tilespmem:s4+$0x880];
	v52 =	vmin.f32 v3, v51;
	v3 =	vmax.f32 v3, v51;
	v0 =	vmax.f32 v0, v4  }
0x4f: {  	v4 =	vmax.f32 v10, v17;
	v22 =	vmin.f32 v13, v20;
	v7 =	vmax.f32 v13, v20  }
0x50: {  	v57 =	vld [tilespmem:s4+$0x900];
	v45 =	vmin.f32 v40, v44;
	v47 =	vmax.f32 v40, v44;
	v53 =	vmin.f32 v2, v52  }
0x51: {  	v2 =	vmax.f32 v2, v52;
	v0 =	vmax.f32 v0, v22;
	v10 =	vmax.f32 v4, v6  }
0x52: {  	v4 =	vmin.f32 v4, v6;
	v6 =	vmin.f32 v33, v39;
	v54 =	vmax.f32 v47, v53  }
0x53: {  	v63 =	vld [tilespmem:s4+$0x980];
	v55 =	vmin.f32 v1, v49;
	v1 =	vmax.f32 v1, v49;
	v11 =	vmax.f32 v5, v4  }
0x54: {  	v4 =	vmin.f32 v5, v4;
	v32 =	vmin.f32 v10, v31;
	v56 =	vmin.f32 v3, v55  }
0x55: {  	v3 =	vmax.f32 v3, v55;
	v15 =	vmin.f32 v1, v57;
	v1 =	vmax.f32 v1, v57  }
0x56: {  	v13 =	vmax.f32 v7, v4;
	v4 =	vmin.f32 v7, v4;
	v34 =	vmin.f32 v11, v32  }
0x57: {  	v21 =	vld [tilespmem:s4+$0xA00];
	v5 =	vmax.f32 v11, v32;
	v58 =	vmin.f32 v2, v56;
	v2 =	vmax.f32 v2, v56  }
0x58: {  	v16 =	vmin.f32 v3, v15;
	v3 =	vmax.f32 v3, v15;
	v19 =	vmin.f32 v1, v63  }
0x59: {  	v1 =	vmax.f32 v1, v63;
	v0 =	vmax.f32 v0, v4;
	v4 =	vmax.f32 v10, v31  }
0x5a: {  	v36 =	vmin.f32 v13, v34;
	v7 =	vmax.f32 v13, v34;
	v59 =	vmin.f32 v54, v58  }
0x5b: {  	v27 =	vld [tilespmem:s4+$0xA80];
	v61 =	vmax.f32 v54, v58;
	v17 =	vmin.f32 v2, v16;
	v2 =	vmax.f32 v2, v16  }
0x5c: {  	v20 =	vmin.f32 v3, v19;
	v3 =	vmax.f32 v3, v19;
	v29 =	vmin.f32 v1, v21  }
0x5d: {  	v1 =	vmax.f32 v1, v21;
	v0 =	vmax.f32 v0, v36;
	v10 =	vmax.f32 v4, v6  }
0x5e: {  	v4 =	vmin.f32 v4, v6;
	v6 =	vmin.f32 v47, v53;
	v18 =	vmax.f32 v61, v17  }
0x5f: {  	v35 =	vld [tilespmem:s4+$0xB00];
	v22 =	vmin.f32 v2, v20;
	v2 =	vmax.f32 v2, v20;
	v30 =	vmin.f32 v3, v29  }
0x60: {  	v3 =	vmax.f32 v3, v29;
	v33 =	vmin.f32 v1, v27;
	v1 =	vmax.f32 v1, v27  }
0x61: {  	v11 =	vmax.f32 v5, v4;
	v4 =	vmin.f32 v5, v4;
	v46 =	vmin.f32 v10, v45  }
0x62: {  	v41 =	vld [tilespmem:s4+$0xB80];
	v23 =	vmin.f32 v18, v22;
	v25 =	vmax.f32 v18, v22;
	v31 =	vmin.f32 v2, v30  }
0x63: {  	v2 =	vmax.f32 v2, v30;
	v34 =	vmin.f32 v3, v33;
	v3 =	vmax.f32 v3, v33  }
0x64: {  	v43 =	vmin.f32 v1, v35;
	v1 =	vmax.f32 v1, v35;
	v13 =	vmax.f32 v7, v4  }
0x65: {  	v4 =	vmin.f32 v7, v4;
	v48 =	vmin.f32 v11, v46;
	v5 =	vmax.f32 v11, v46  }
0x66: {  	v49 =	vld [tilespmem:s4+$0xC00];
	v32 =	vmax.f32 v25, v31;
	v36 =	vmin.f32 v2, v34;
	v2 =	vmax.f32 v2, v34  }
0x67: {  	v44 =	vmin.f32 v3, v43;
	v3 =	vmax.f32 v3, v43;
	v47 =	vmin.f32 v1, v41  }
0x68: {  	v1 =	vmax.f32 v1, v41;
	v0 =	vmax.f32 v0, v4;
	v4 =	vmax.f32 v10, v45  }
0x69: {  	v50 =	vmin.f32 v13, v48;
	v7 =	vmax.f32 v13, v48;
	v37 =	vmin.f32 v32, v36  }
0x6a: {  	v55 =	vld [tilespmem:s4+$0xC80];
	v39 =	vmax.f32 v32, v36;
	v45 =	vmin.f32 v2, v44;
	v2 =	vmax.f32 v2, v44  }
0x6b: {  	v48 =	vmin.f32 v3, v47;
	v3 =	vmax.f32 v3, v47;
	v57 =	vmin.f32 v1, v49  }
0x6c: {  	v1 =	vmax.f32 v1, v49;
	v0 =	vmax.f32 v0, v50;
	v10 =	vmax.f32 v4, v6  }
0x6d: {  	v4 =	vmin.f32 v4, v6;
	v6 =	vmin.f32 v61, v17;
	v46 =	vmax.f32 v39, v45  }
0x6e: {  	v50 =	vmin.f32 v2, v48;
	v2 =	vmax.f32 v2, v48;
	v58 =	vmin.f32 v3, v57  }
0x6f: {  	v3 =	vmax.f32 v3, v57;
	v61 =	vmin.f32 v1, v55;
	v1 =	vmax.f32 v1, v55  }
0x70: {  	v11 =	vmax.f32 v5, v4;
	v4 =	vmin.f32 v5, v4;
	v60 =	vmin.f32 v10, v59  }
0x71: {  	v51 =	vmin.f32 v46, v50;
	v53 =	vmax.f32 v46, v50;
	v13 =	vmax.f32 v7, v4  }
0x72: {  	v4 =	vmin.f32 v7, v4;
	v62 =	vmin.f32 v11, v60;
	v5 =	vmax.f32 v11, v60  }
0x73: {  	v0 =	vmax.f32 v0, v4;
	v4 =	vmax.f32 v10, v59;
	v14 =	vmin.f32 v13, v62  }
0x74: {  	v7 =	vmax.f32 v13, v62;
	v59 =	vmin.f32 v2, v58;
	v2 =	vmax.f32 v2, v58  }
0x75: {  	v62 =	vmin.f32 v3, v61;
	v3 =	vmax.f32 v3, v61;
	v0 =	vmax.f32 v0, v14  }
0x76: {  	v10 =	vmax.f32 v4, v6;
	v4 =	vmin.f32 v4, v6;
	v6 =	vmin.f32 v25, v31  }
0x77: {  	v63 =	vld [tilespmem:s4+$0xD00];
	v60 =	vmax.f32 v53, v59;
	v16 =	vmin.f32 v2, v62;
	v2 =	vmax.f32 v2, v62  }
0x78: {  	v11 =	vmax.f32 v5, v4;
	v4 =	vmin.f32 v5, v4;
	v24 =	vmin.f32 v10, v23  }
0x79: {  	v17 =	vmin.f32 v60, v16;
	v19 =	vmax.f32 v60, v16;
	v13 =	vmax.f32 v7, v4  }
0x7a: {  	v21 =	vld [tilespmem:s4+$0xD80];
	v4 =	vmin.f32 v7, v4;
	v26 =	vmin.f32 v11, v24;
	v5 =	vmax.f32 v11, v24  }
0x7b: {  	v0 =	vmax.f32 v0, v4;
	v4 =	vmax.f32 v10, v23;
	v28 =	vmin.f32 v13, v26  }
0x7c: {  	v7 =	vmax.f32 v13, v26;
	v23 =	vmin.f32 v1, v63;
	v1 =	vmax.f32 v1, v63  }
0x7d: {  	v0 =	vmax.f32 v0, v28;
	v10 =	vmax.f32 v4, v6;
	v4 =	vmin.f32 v4, v6  }
0x7e: {  	v6 =	vmin.f32 v39, v45;
	v24 =	vmin.f32 v3, v23;
	v3 =	vmax.f32 v3, v23  }
0x7f: {  	v27 =	vmin.f32 v1, v21;
	v1 =	vmax.f32 v1, v21;
	v11 =	vmax.f32 v5, v4  }
0x80: {  	v4 =	vmin.f32 v5, v4;
	v38 =	vmin.f32 v10, v37;
	v25 =	vmin.f32 v2, v24  }
0x81: {  	v29 =	vld [tilespmem:s4+$0xE00];
	v2 =	vmax.f32 v2, v24;
	v28 =	vmin.f32 v3, v27;
	v3 =	vmax.f32 v3, v27  }
0x82: {  	v13 =	vmax.f32 v7, v4;
	v4 =	vmin.f32 v7, v4;
	v40 =	vmin.f32 v11, v38  }
0x83: {  	v5 =	vmax.f32 v11, v38;
	v26 =	vmax.f32 v19, v25;
	v30 =	vmin.f32 v2, v28  }
0x84: {  	v35 =	vld [tilespmem:s4+$0xE80];
	v2 =	vmax.f32 v2, v28;
	v0 =	vmax.f32 v0, v4;
	v4 =	vmax.f32 v10, v37  }
0x85: {  	v42 =	vmin.f32 v13, v40;
	v7 =	vmax.f32 v13, v40;
	v31 =	vmin.f32 v26, v30  }
0x86: {  	v33 =	vmax.f32 v26, v30;
	v37 =	vmin.f32 v1, v29;
	v1 =	vmax.f32 v1, v29  }
0x87: {  	v0 =	vmax.f32 v0, v42;
	v10 =	vmax.f32 v4, v6;
	v4 =	vmin.f32 v4, v6  }
0x88: {  	v6 =	vmin.f32 v53, v59;
	v38 =	vmin.f32 v3, v37;
	v3 =	vmax.f32 v3, v37  }
0x89: {  	v41 =	vmin.f32 v1, v35;
	v1 =	vmax.f32 v1, v35;
	v11 =	vmax.f32 v5, v4  }
0x8a: {  	v4 =	vmin.f32 v5, v4;
	v52 =	vmin.f32 v10, v51;
	v39 =	vmin.f32 v2, v38  }
0x8b: {  	v43 =	vld [tilespmem:s4+$0xF00];
	v2 =	vmax.f32 v2, v38;
	v42 =	vmin.f32 v3, v41;
	v3 =	vmax.f32 v3, v41  }
0x8c: {  	v13 =	vmax.f32 v7, v4;
	v4 =	vmin.f32 v7, v4;
	v54 =	vmin.f32 v11, v52  }
0x8d: {  	v5 =	vmax.f32 v11, v52;
	v40 =	vmax.f32 v33, v39;
	v44 =	vmin.f32 v2, v42  }
0x8e: {  	v49 =	vld [tilespmem:s4+$0xF80];
	v2 =	vmax.f32 v2, v42;
	v0 =	vmax.f32 v0, v4;
	v4 =	vmax.f32 v10, v51  }
0x8f: {  	v56 =	vmin.f32 v13, v54;
	v7 =	vmax.f32 v13, v54;
	v45 =	vmin.f32 v40, v44  }
0x90: {  	v47 =	vmax.f32 v40, v44;
	v51 =	vmin.f32 v1, v43;
	v1 =	vmax.f32 v1, v43  }
0x91: {  	v57 =	vld [tilespmem:s4+$0x1000];
	v0 =	vmax.f32 v0, v56;
	v10 =	vmax.f32 v4, v6;
	v4 =	vmin.f32 v4, v6  }
0x92: {  	v6 =	vmin.f32 v19, v25;
	v52 =	vmin.f32 v3, v51;
	v3 =	vmax.f32 v3, v51  }
0x93: {  	v55 =	vmin.f32 v1, v49;
	v1 =	vmax.f32 v1, v49;
	v11 =	vmax.f32 v5, v4  }
0x94: {  	v63 =	vld [tilespmem:s4+$0x1080];
	v4 =	vmin.f32 v5, v4;
	v18 =	vmin.f32 v10, v17;
	v53 =	vmin.f32 v2, v52  }
0x95: {  	v2 =	vmax.f32 v2, v52;
	v56 =	vmin.f32 v3, v55;
	v3 =	vmax.f32 v3, v55  }
0x96: {  	v15 =	vmin.f32 v1, v57;
	v1 =	vmax.f32 v1, v57;
	v13 =	vmax.f32 v7, v4  }
0x97: {  	v4 =	vmin.f32 v7, v4;
	v20 =	vmin.f32 v11, v18;
	v5 =	vmax.f32 v11, v18  }
0x98: {  	v21 =	vld [tilespmem:s4+$0x1100];
	v54 =	vmax.f32 v47, v53;
	v58 =	vmin.f32 v2, v56;
	v2 =	vmax.f32 v2, v56  }
0x99: {  	v16 =	vmin.f32 v3, v15;
	v3 =	vmax.f32 v3, v15;
	v19 =	vmin.f32 v1, v63  }
0x9a: {  	v1 =	vmax.f32 v1, v63;
	v0 =	vmax.f32 v0, v4;
	v4 =	vmax.f32 v10, v17  }
0x9b: {  	v22 =	vmin.f32 v13, v20;
	v7 =	vmax.f32 v13, v20;
	v59 =	vmin.f32 v54, v58  }
0x9c: {  	v27 =	vld [tilespmem:s4+$0x1180];
	v61 =	vmax.f32 v54, v58;
	v17 =	vmin.f32 v2, v16;
	v2 =	vmax.f32 v2, v16  }
0x9d: {  	v20 =	vmin.f32 v3, v19;
	v3 =	vmax.f32 v3, v19;
	v29 =	vmin.f32 v1, v21  }
0x9e: {  	v35 =	vld [tilespmem:s4+$0x1200];
	v1 =	vmax.f32 v1, v21;
	v0 =	vmax.f32 v0, v22;
	v10 =	vmax.f32 v4, v6  }
0x9f: {  	v4 =	vmin.f32 v4, v6;
	v6 =	vmin.f32 v33, v39;
	v18 =	vmax.f32 v61, v17  }
0xa0: {  	v22 =	vmin.f32 v2, v20;
	v2 =	vmax.f32 v2, v20;
	v30 =	vmin.f32 v3, v29  }
0xa1: {  	v3 =	vmax.f32 v3, v29;
	v33 =	vmin.f32 v1, v27;
	v1 =	vmax.f32 v1, v27  }
0xa2: {  	v11 =	vmax.f32 v5, v4;
	v4 =	vmin.f32 v5, v4;
	v32 =	vmin.f32 v10, v31  }
0xa3: {  	v23 =	vmin.f32 v18, v22;
	v25 =	vmax.f32 v18, v22;
	v43 =	vmin.f32 v1, v35  }
0xa4: {  	v1 =	vmax.f32 v1, v35;
	v13 =	vmax.f32 v7, v4;
	v4 =	vmin.f32 v7, v4  }
0xa5: {  	v34 =	vmin.f32 v11, v32;
	v5 =	vmax.f32 v11, v32;
	v0 =	vmax.f32 v0, v4  }
0xa6: {  	v41 =	vld [tilespmem:s4+$0x1280];
	v4 =	vmax.f32 v10, v31;
	v36 =	vmin.f32 v13, v34;
	v7 =	vmax.f32 v13, v34  }
0xa7: {  	v31 =	vmin.f32 v2, v30;
	v2 =	vmax.f32 v2, v30;
	v34 =	vmin.f32 v3, v33  }
0xa8: {  	v49 =	vld [tilespmem:s4+$0x1300];
	v3 =	vmax.f32 v3, v33;
	v0 =	vmax.f32 v0, v36;
	v10 =	vmax.f32 v4, v6  }
0xa9: {  	v4 =	vmin.f32 v4, v6;
	v6 =	vmin.f32 v47, v53;
	v32 =	vmax.f32 v25, v31  }
0xaa: {  	v36 =	vmin.f32 v2, v34;
	v2 =	vmax.f32 v2, v34;
	v44 =	vmin.f32 v3, v43  }
0xab: {  	v3 =	vmax.f32 v3, v43;
	v47 =	vmin.f32 v1, v41;
	v1 =	vmax.f32 v1, v41  }
0xac: {  	v11 =	vmax.f32 v5, v4;
	v4 =	vmin.f32 v5, v4;
	v46 =	vmin.f32 v10, v45  }
0xad: {  	v37 =	vmin.f32 v32, v36;
	v39 =	vmax.f32 v32, v36;
	v57 =	vmin.f32 v1, v49  }
0xae: {  	v1 =	vmax.f32 v1, v49;
	v13 =	vmax.f32 v7, v4;
	v4 =	vmin.f32 v7, v4  }
0xaf: {  	v48 =	vmin.f32 v11, v46;
	v5 =	vmax.f32 v11, v46;
	v0 =	vmax.f32 v0, v4  }
0xb0: {  	v55 =	vld [tilespmem:s4+$0x1380];
	v4 =	vmax.f32 v10, v45;
	v50 =	vmin.f32 v13, v48;
	v7 =	vmax.f32 v13, v48  }
0xb1: {  	v45 =	vmin.f32 v2, v44;
	v2 =	vmax.f32 v2, v44;
	v48 =	vmin.f32 v3, v47  }
0xb2: {  	v3 =	vmax.f32 v3, v47;
	v0 =	vmax.f32 v0, v50;
	v10 =	vmax.f32 v4, v6  }
0xb3: {  	v4 =	vmin.f32 v4, v6;
	v6 =	vmin.f32 v61, v17;
	v46 =	vmax.f32 v39, v45  }
0xb4: {  	v50 =	vmin.f32 v2, v48;
	v2 =	vmax.f32 v2, v48;
	v58 =	vmin.f32 v3, v57  }
0xb5: {  	v3 =	vmax.f32 v3, v57;
	v61 =	vmin.f32 v1, v55;
	v1 =	vmax.f32 v1, v55  }
0xb6: {  	v11 =	vmax.f32 v5, v4;
	v4 =	vmin.f32 v5, v4;
	v60 =	vmin.f32 v10, v59  }
0xb7: {  	v51 =	vmin.f32 v46, v50;
	v53 =	vmax.f32 v46, v50;
	v13 =	vmax.f32 v7, v4  }
0xb8: {  	v4 =	vmin.f32 v7, v4;
	v62 =	vmin.f32 v11, v60;
	v5 =	vmax.f32 v11, v60  }
0xb9: {  	v0 =	vmax.f32 v0, v4;
	v4 =	vmax.f32 v10, v59;
	v14 =	vmin.f32 v13, v62  }
0xba: {  	v7 =	vmax.f32 v13, v62;
	v59 =	vmin.f32 v2, v58;
	v2 =	vmax.f32 v2, v58  }
0xbb: {  	v62 =	vmin.f32 v3, v61;
	v3 =	vmax.f32 v3, v61;
	v0 =	vmax.f32 v0, v14  }
0xbc: {  	v10 =	vmax.f32 v4, v6;
	v4 =	vmin.f32 v4, v6;
	v6 =	vmin.f32 v25, v31  }
0xbd: {  	v63 =	vld [tilespmem:s4+$0x1400];
	v60 =	vmax.f32 v53, v59;
	v16 =	vmin.f32 v2, v62;
	v2 =	vmax.f32 v2, v62  }
0xbe: {  	v11 =	vmax.f32 v5, v4;
	v4 =	vmin.f32 v5, v4;
	v24 =	vmin.f32 v10, v23  }
0xbf: {  	v17 =	vmin.f32 v60, v16;
	v19 =	vmax.f32 v60, v16;
	v13 =	vmax.f32 v7, v4  }
0xc0: {  	v21 =	vld [tilespmem:s4+$0x1480];
	v4 =	vmin.f32 v7, v4;
	v26 =	vmin.f32 v11, v24;
	v5 =	vmax.f32 v11, v24  }
0xc1: {  	v0 =	vmax.f32 v0, v4;
	v4 =	vmax.f32 v10, v23;
	v28 =	vmin.f32 v13, v26  }
0xc2: {  	v7 =	vmax.f32 v13, v26;
	v23 =	vmin.f32 v1, v63;
	v1 =	vmax.f32 v1, v63  }
0xc3: {  	v0 =	vmax.f32 v0, v28;
	v10 =	vmax.f32 v4, v6;
	v4 =	vmin.f32 v4, v6  }
0xc4: {  	v6 =	vmin.f32 v39, v45;
	v24 =	vmin.f32 v3, v23;
	v3 =	vmax.f32 v3, v23  }
0xc5: {  	v27 =	vmin.f32 v1, v21;
	v1 =	vmax.f32 v1, v21;
	v11 =	vmax.f32 v5, v4  }
0xc6: {  	v4 =	vmin.f32 v5, v4;
	v38 =	vmin.f32 v10, v37;
	v25 =	vmin.f32 v2, v24  }
0xc7: {  	v29 =	vld [tilespmem:s4+$0x1500];
	v2 =	vmax.f32 v2, v24;
	v28 =	vmin.f32 v3, v27;
	v3 =	vmax.f32 v3, v27  }
0xc8: {  	v13 =	vmax.f32 v7, v4;
	v4 =	vmin.f32 v7, v4;
	v40 =	vmin.f32 v11, v38  }
0xc9: {  	v5 =	vmax.f32 v11, v38;
	v26 =	vmax.f32 v19, v25;
	v30 =	vmin.f32 v2, v28  }
0xca: {  	v35 =	vld [tilespmem:s4+$0x1580];
	v2 =	vmax.f32 v2, v28;
	v0 =	vmax.f32 v0, v4;
	v4 =	vmax.f32 v10, v37  }
0xcb: {  	v42 =	vmin.f32 v13, v40;
	v7 =	vmax.f32 v13, v40;
	v31 =	vmin.f32 v26, v30  }
0xcc: {  	v33 =	vmax.f32 v26, v30;
	v37 =	vmin.f32 v1, v29;
	v1 =	vmax.f32 v1, v29  }
0xcd: {  	v0 =	vmax.f32 v0, v42;
	v10 =	vmax.f32 v4, v6;
	v4 =	vmin.f32 v4, v6  }
0xce: {  	v6 =	vmin.f32 v53, v59;
	v38 =	vmin.f32 v3, v37;
	v3 =	vmax.f32 v3, v37  }
0xcf: {  	v41 =	vmin.f32 v1, v35;
	v1 =	vmax.f32 v1, v35;
	v11 =	vmax.f32 v5, v4  }
0xd0: {  	v4 =	vmin.f32 v5, v4;
	v52 =	vmin.f32 v10, v51;
	v39 =	vmin.f32 v2, v38  }
0xd1: {  	v43 =	vld [tilespmem:s4+$0x1600];
	v2 =	vmax.f32 v2, v38;
	v42 =	vmin.f32 v3, v41;
	v3 =	vmax.f32 v3, v41  }
0xd2: {  	v13 =	vmax.f32 v7, v4;
	v4 =	vmin.f32 v7, v4;
	v54 =	vmin.f32 v11, v52  }
0xd3: {  	v5 =	vmax.f32 v11, v52;
	v40 =	vmax.f32 v33, v39;
	v44 =	vmin.f32 v2, v42  }
0xd4: {  	v49 =	vld [tilespmem:s4+$0x1680];
	v2 =	vmax.f32 v2, v42;
	v0 =	vmax.f32 v0, v4;
	v4 =	vmax.f32 v10, v51  }
0xd5: {  	v56 =	vmin.f32 v13, v54;
	v7 =	vmax.f32 v13, v54;
	v45 =	vmin.f32 v40, v44  }
0xd6: {  	v47 =	vmax.f32 v40, v44;
	v51 =	vmin.f32 v1, v43;
	v1 =	vmax.f32 v1, v43  }
0xd7: {  	v57 =	vld [tilespmem:s4+$0x1700];
	v0 =	vmax.f32 v0, v56;
	v10 =	vmax.f32 v4, v6;
	v4 =	vmin.f32 v4, v6  }
0xd8: {  	v6 =	vmin.f32 v19, v25;
	v52 =	vmin.f32 v3, v51;
	v3 =	vmax.f32 v3, v51  }
0xd9: {  	v55 =	vmin.f32 v1, v49;
	v1 =	vmax.f32 v1, v49;
	v11 =	vmax.f32 v5, v4  }
0xda: {  	v63 =	vld [tilespmem:s4+$0x1780];
	v4 =	vmin.f32 v5, v4;
	v18 =	vmin.f32 v10, v17;
	v53 =	vmin.f32 v2, v52  }
0xdb: {  	v2 =	vmax.f32 v2, v52;
	v56 =	vmin.f32 v3, v55;
	v3 =	vmax.f32 v3, v55  }
0xdc: {  	v15 =	vmin.f32 v1, v57;
	v1 =	vmax.f32 v1, v57;
	v13 =	vmax.f32 v7, v4  }
0xdd: {  	v4 =	vmin.f32 v7, v4;
	v20 =	vmin.f32 v11, v18;
	v5 =	vmax.f32 v11, v18  }
0xde: {  	v21 =	vld [tilespmem:s4+$0x1800];
	v54 =	vmax.f32 v47, v53;
	v58 =	vmin.f32 v2, v56;
	v2 =	vmax.f32 v2, v56  }
0xdf: {  	v16 =	vmin.f32 v3, v15;
	v3 =	vmax.f32 v3, v15;
	v19 =	vmin.f32 v1, v63  }
0xe0: {  	v1 =	vmax.f32 v1, v63;
	v0 =	vmax.f32 v0, v4;
	v4 =	vmax.f32 v10, v17  }
0xe1: {  	v22 =	vmin.f32 v13, v20;
	v7 =	vmax.f32 v13, v20;
	v59 =	vmin.f32 v54, v58  }
0xe2: {  	v27 =	vld [tilespmem:s4+$0x1880];
	v61 =	vmax.f32 v54, v58;
	v17 =	vmin.f32 v2, v16;
	v2 =	vmax.f32 v2, v16  }
0xe3: {  	v20 =	vmin.f32 v3, v19;
	v3 =	vmax.f32 v3, v19;
	v29 =	vmin.f32 v1, v21  }
0xe4: {  	v35 =	vld [tilespmem:s4+$0x1900];
	v1 =	vmax.f32 v1, v21;
	v0 =	vmax.f32 v0, v22;
	v10 =	vmax.f32 v4, v6  }
0xe5: {  	v4 =	vmin.f32 v4, v6;
	v6 =	vmin.f32 v33, v39;
	v18 =	vmax.f32 v61, v17  }
0xe6: {  	v22 =	vmin.f32 v2, v20;
	v2 =	vmax.f32 v2, v20;
	v30 =	vmin.f32 v3, v29  }
0xe7: {  	v3 =	vmax.f32 v3, v29;
	v33 =	vmin.f32 v1, v27;
	v1 =	vmax.f32 v1, v27  }
0xe8: {  	v11 =	vmax.f32 v5, v4;
	v4 =	vmin.f32 v5, v4;
	v32 =	vmin.f32 v10, v31  }
0xe9: {  	v23 =	vmin.f32 v18, v22;
	v25 =	vmax.f32 v18, v22;
	v43 =	vmin.f32 v1, v35  }
0xea: {  	v1 =	vmax.f32 v1, v35;
	v13 =	vmax.f32 v7, v4;
	v4 =	vmin.f32 v7, v4  }
0xeb: {  	v34 =	vmin.f32 v11, v32;
	v5 =	vmax.f32 v11, v32;
	v0 =	vmax.f32 v0, v4  }
0xec: {  	v41 =	vld [tilespmem:s4+$0x1980];
	v4 =	vmax.f32 v10, v31;
	v36 =	vmin.f32 v13, v34;
	v7 =	vmax.f32 v13, v34  }
0xed: {  	v31 =	vmin.f32 v2, v30;
	v2 =	vmax.f32 v2, v30;
	v34 =	vmin.f32 v3, v33  }
0xee: {  	v49 =	vld [tilespmem:s4+$0x1A00];
	v3 =	vmax.f32 v3, v33;
	v0 =	vmax.f32 v0, v36;
	v10 =	vmax.f32 v4, v6  }
0xef: {  	v4 =	vmin.f32 v4, v6;
	v6 =	vmin.f32 v47, v53;
	v32 =	vmax.f32 v25, v31  }
0xf0: {  	v36 =	vmin.f32 v2, v34;
	v2 =	vmax.f32 v2, v34;
	v44 =	vmin.f32 v3, v43  }
0xf1: {  	v3 =	vmax.f32 v3, v43;
	v47 =	vmin.f32 v1, v41;
	v1 =	vmax.f32 v1, v41  }
0xf2: {  	v11 =	vmax.f32 v5, v4;
	v4 =	vmin.f32 v5, v4;
	v46 =	vmin.f32 v10, v45  }
0xf3: {  	v37 =	vmin.f32 v32, v36;
	v39 =	vmax.f32 v32, v36;
	v57 =	vmin.f32 v1, v49  }
0xf4: {  	v1 =	vmax.f32 v1, v49;
	v13 =	vmax.f32 v7, v4;
	v4 =	vmin.f32 v7, v4  }
0xf5: {  	v48 =	vmin.f32 v11, v46;
	v5 =	vmax.f32 v11, v46;
	v0 =	vmax.f32 v0, v4  }
0xf6: {  	v55 =	vld [tilespmem:s4+$0x1A80];
	v4 =	vmax.f32 v10, v45;
	v50 =	vmin.f32 v13, v48;
	v7 =	vmax.f32 v13, v48  }
0xf7: {  	v45 =	vmin.f32 v2, v44;
	v2 =	vmax.f32 v2, v44;
	v48 =	vmin.f32 v3, v47  }
0xf8: {  	v3 =	vmax.f32 v3, v47;
	v0 =	vmax.f32 v0, v50;
	v10 =	vmax.f32 v4, v6  }
0xf9: {  	v4 =	vmin.f32 v4, v6;
	v6 =	vmin.f32 v61, v17;
	v46 =	vmax.f32 v39, v45  }
0xfa: {  	v50 =	vmin.f32 v2, v48;
	v2 =	vmax.f32 v2, v48;
	v58 =	vmin.f32 v3, v57  }
0xfb: {  	v3 =	vmax.f32 v3, v57;
	v61 =	vmin.f32 v1, v55;
	v1 =	vmax.f32 v1, v55  }
0xfc: {  	v11 =	vmax.f32 v5, v4;
	v4 =	vmin.f32 v5, v4;
	v60 =	vmin.f32 v10, v59  }
0xfd: {  	v51 =	vmin.f32 v46, v50;
	v53 =	vmax.f32 v46, v50;
	v13 =	vmax.f32 v7, v4  }
0xfe: {  	v4 =	vmin.f32 v7, v4;
	v62 =	vmin.f32 v11, v60;
	v5 =	vmax.f32 v11, v60  }
0xff: {  	v0 =	vmax.f32 v0, v4;
	v4 =	vmax.f32 v10, v59;
	v14 =	vmin.f32 v13, v62  }
0x100: {  	v7 =	vmax.f32 v13, v62;
	v59 =	vmin.f32 v2, v58;
	v2 =	vmax.f32 v2, v58  }
0x101: {  	v62 =	vmin.f32 v3, v61;
	v3 =	vmax.f32 v3, v61;
	v0 =	vmax.f32 v0, v14  }
0x102: {  	v10 =	vmax.f32 v4, v6;
	v4 =	vmin.f32 v4, v6;
	v6 =	vmin.f32 v25, v31  }
0x103: {  	v63 =	vld [tilespmem:s4+$0x1B00];
	v60 =	vmax.f32 v53, v59;
	v16 =	vmin.f32 v2, v62;
	v2 =	vmax.f32 v2, v62  }
0x104: {  	v11 =	vmax.f32 v5, v4;
	v4 =	vmin.f32 v5, v4;
	v24 =	vmin.f32 v10, v23  }
0x105: {  	v17 =	vmin.f32 v60, v16;
	v19 =	vmax.f32 v60, v16;
	v13 =	vmax.f32 v7, v4  }
0x106: {  	v21 =	vld [tilespmem:s4+$0x1B80];
	v4 =	vmin.f32 v7, v4;
	v26 =	vmin.f32 v11, v24;
	v5 =	vmax.f32 v11, v24  }
0x107: {  	v0 =	vmax.f32 v0, v4;
	v4 =	vmax.f32 v10, v23;
	v28 =	vmin.f32 v13, v26  }
0x108: {  	v7 =	vmax.f32 v13, v26;
	v23 =	vmin.f32 v1, v63;
	v1 =	vmax.f32 v1, v63  }
0x109: {  	v0 =	vmax.f32 v0, v28;
	v10 =	vmax.f32 v4, v6;
	v4 =	vmin.f32 v4, v6  }
0x10a: {  	v6 =	vmin.f32 v39, v45;
	v24 =	vmin.f32 v3, v23;
	v3 =	vmax.f32 v3, v23  }
0x10b: {  	v27 =	vmin.f32 v1, v21;
	v1 =	vmax.f32 v1, v21;
	v11 =	vmax.f32 v5, v4  }
0x10c: {  	v4 =	vmin.f32 v5, v4;
	v38 =	vmin.f32 v10, v37;
	v25 =	vmin.f32 v2, v24  }
0x10d: {  	v29 =	vld [tilespmem:s4+$0x1C00];
	v2 =	vmax.f32 v2, v24;
	v28 =	vmin.f32 v3, v27;
	v3 =	vmax.f32 v3, v27  }
0x10e: {  	v13 =	vmax.f32 v7, v4;
	v4 =	vmin.f32 v7, v4;
	v40 =	vmin.f32 v11, v38  }
0x10f: {  	v5 =	vmax.f32 v11, v38;
	v26 =	vmax.f32 v19, v25;
	v30 =	vmin.f32 v2, v28  }
0x110: {  	v35 =	vld [tilespmem:s4+$0x1C80];
	v2 =	vmax.f32 v2, v28;
	v0 =	vmax.f32 v0, v4;
	v4 =	vmax.f32 v10, v37  }
0x111: {  	v42 =	vmin.f32 v13, v40;
	v7 =	vmax.f32 v13, v40;
	v31 =	vmin.f32 v26, v30  }
0x112: {  	v33 =	vmax.f32 v26, v30;
	v37 =	vmin.f32 v1, v29;
	v1 =	vmax.f32 v1, v29  }
0x113: {  	v0 =	vmax.f32 v0, v42;
	v10 =	vmax.f32 v4, v6;
	v4 =	vmin.f32 v4, v6  }
0x114: {  	v6 =	vmin.f32 v53, v59;
	v38 =	vmin.f32 v3, v37;
	v3 =	vmax.f32 v3, v37  }
0x115: {  	v41 =	vmin.f32 v1, v35;
	v1 =	vmax.f32 v1, v35;
	v11 =	vmax.f32 v5, v4  }
0x116: {  	v4 =	vmin.f32 v5, v4;
	v52 =	vmin.f32 v10, v51;
	v39 =	vmin.f32 v2, v38  }
0x117: {  	v43 =	vld [tilespmem:s4+$0x1D00];
	v2 =	vmax.f32 v2, v38;
	v42 =	vmin.f32 v3, v41;
	v3 =	vmax.f32 v3, v41  }
0x118: {  	v13 =	vmax.f32 v7, v4;
	v4 =	vmin.f32 v7, v4;
	v54 =	vmin.f32 v11, v52  }
0x119: {  	v5 =	vmax.f32 v11, v52;
	v40 =	vmax.f32 v33, v39;
	v44 =	vmin.f32 v2, v42  }
0x11a: {  	v49 =	vld [tilespmem:s4+$0x1D80];
	v2 =	vmax.f32 v2, v42;
	v0 =	vmax.f32 v0, v4;
	v4 =	vmax.f32 v10, v51  }
0x11b: {  	v56 =	vmin.f32 v13, v54;
	v7 =	vmax.f32 v13, v54;
	v45 =	vmin.f32 v40, v44  }
0x11c: {  	v47 =	vmax.f32 v40, v44;
	v51 =	vmin.f32 v1, v43;
	v1 =	vmax.f32 v1, v43  }
0x11d: {  	v0 =	vmax.f32 v0, v56;
	v10 =	vmax.f32 v4, v6;
	v4 =	vmin.f32 v4, v6  }
0x11e: {  	v6 =	vmin.f32 v19, v25;
	v52 =	vmin.f32 v3, v51;
	v3 =	vmax.f32 v3, v51  }
0x11f: {  	v55 =	vmin.f32 v1, v49;
	v1 =	vmax.f32 v1, v49;
	v11 =	vmax.f32 v5, v4  }
0x120: {  	v4 =	vmin.f32 v5, v4;
	v18 =	vmin.f32 v10, v17;
	v53 =	vmin.f32 v2, v52  }
0x121: {  	v57 =	vld [tilespmem:s4+$0x1E00];
	v2 =	vmax.f32 v2, v52;
	v56 =	vmin.f32 v3, v55;
	v3 =	vmax.f32 v3, v55  }
0x122: {  	v13 =	vmax.f32 v7, v4;
	v4 =	vmin.f32 v7, v4;
	v20 =	vmin.f32 v11, v18  }
0x123: {  	v5 =	vmax.f32 v11, v18;
	v54 =	vmax.f32 v47, v53;
	v58 =	vmin.f32 v2, v56  }
0x124: {  	v63 =	vld [tilespmem:s4+$0x1E80];
	v2 =	vmax.f32 v2, v56;
	v0 =	vmax.f32 v0, v4;
	v4 =	vmax.f32 v10, v17  }
0x125: {  	v22 =	vmin.f32 v13, v20;
	v7 =	vmax.f32 v13, v20;
	v59 =	vmin.f32 v54, v58  }
0x126: {  	v61 =	vmax.f32 v54, v58;
	v17 =	vmin.f32 v1, v57;
	v1 =	vmax.f32 v1, v57  }
0x127: {  	v0 =	vmax.f32 v0, v22;
	v10 =	vmax.f32 v4, v6;
	v4 =	vmin.f32 v4, v6  }
0x128: {  	v6 =	vmin.f32 v33, v39;
	v18 =	vmin.f32 v3, v17;
	v3 =	vmax.f32 v3, v17  }
0x129: {  	v25 =	vld [tilespmem:s4+$0x1F00];
	v21 =	vmin.f32 v1, v63;
	v1 =	vmax.f32 v1, v63;
	v11 =	vmax.f32 v5, v4  }
0x12a: {  	v4 =	vmin.f32 v5, v4;
	v32 =	vmin.f32 v10, v31;
	v19 =	vmin.f32 v2, v18  }
0x12b: {  	v2 =	vmax.f32 v2, v18;
	v22 =	vmin.f32 v3, v21;
	v3 =	vmax.f32 v3, v21  }
0x12c: {  	v27 =	vld [tilespmem:s4+$0x1F80];
	v13 =	vmax.f32 v7, v4;
	v4 =	vmin.f32 v7, v4;
	v34 =	vmin.f32 v11, v32  }
0x12d: {  	v5 =	vmax.f32 v11, v32;
	v20 =	vmax.f32 v61, v19;
	v24 =	vmin.f32 v2, v22  }
0x12e: {  	v2 =	vmax.f32 v2, v22;
	v32 =	vmax.f32 v1, v25;
	v1 =	vmin.f32 v1, v25  }
0x12f: {  	v0 =	vmax.f32 v0, v4;
	v4 =	vmax.f32 v10, v31;
	v36 =	vmin.f32 v13, v34  }
0x130: {  	v7 =	vmax.f32 v13, v34;
	v26 =	vmin.f32 v20, v24;
	v29 =	vmax.f32 v20, v24  }
0x131: {  	v33 =	vmax.f32 v3, v1;
	v1 =	vmin.f32 v3, v1;
	v34 =	vmax.f32 v32, v27  }
0x132: {  	v38 =	vmin.f32 v32, v27;
	v0 =	vmax.f32 v0, v36;
	v10 =	vmax.f32 v4, v6  }
0x133: {  	v4 =	vmin.f32 v4, v6;
	v6 =	vmin.f32 v47, v53;
	v35 =	vmax.f32 v2, v1  }
0x134: {  	v1 =	vmin.f32 v2, v1;
	v36 =	vsub.f32 v34, v34;
	v8 =	vmax.f32 v33, v38  }
0x135: {  	v40 =	vmin.f32 v33, v38;
	v11 =	vmax.f32 v5, v4;
	v4 =	vmin.f32 v5, v4  }
0x136: {  	v46 =	vmin.f32 v10, v45;
	v37 =	vmax.f32 v29, v1;
	v1 =	vmin.f32 v29, v1  }
0x137: {  	v41 =	vsub.f32 v8, v34;
	v42 =	vmax.f32 v35, v40;
	v13 =	vmax.f32 v7, v4  }
0x138: {  	v4 =	vmin.f32 v7, v4;
	v48 =	vmin.f32 v11, v46;
	v5 =	vmax.f32 v11, v46  }
0x139: {  	v2 =	vmul.f32 $1.442695020e+00, v36;
	v8 =	vsub.f32 v42, v34;
	v0 =	vmax.f32 v0, v4  }
0x13a: {  	v4 =	vmax.f32 v10, v45;
	v50 =	vmin.f32 v13, v48;
	v7 =	vmax.f32 v13, v48  }
0x13b: {  	v0 =	vmax.f32 v0, v50;
	v10 =	vmax.f32 v4, v6;
	v4 =	vmin.f32 v4, v6  }
0x13c: {  	v6 =	vmin.f32 v61, v19;
	(erf) = vpow2.f32 v2;
	v45 =	vmul.f32 $1.442695020e+00, v8  }
0x13d: {  	v11 =	vmax.f32 v5, v4;
	v4 =	vmin.f32 v5, v4;
	v60 =	vmin.f32 v10, v59  }
0x13e: {  	v13 =	vmax.f32 v7, v4;
	v4 =	vmin.f32 v7, v4;
	v62 =	vmin.f32 v11, v60  }
0x13f: {  	v5 =	vmax.f32 v11, v60;
	v0 =	vmax.f32 v0, v4;
	v16 =	vmin.f32 v13, v62  }
0x140: {  	v4 =	vmax.f32 v10, v59;
	v7 =	vmax.f32 v13, v62;
	v0 =	vmax.f32 v0, v16  }
0x141: {  	v10 =	vmax.f32 v4, v6;
	v4 =	vmin.f32 v4, v6;
	v6 =	vmul.f32 $1.442695020e+00, v41  }
0x142: {  	v11 =	vmax.f32 v5, v4;
	v4 =	vmin.f32 v5, v4;
	v28 =	vmin.f32 v10, v26  }
0x143: {  	v23 =	vmax.f32 v7, v4;
	v4 =	vmin.f32 v7, v4;
	v30 =	vmin.f32 v11, v28  }
0x144: {  	v5 =	vmax.f32 v11, v28;
	(erf) = vpow2.f32 v6;
	v0 =	vmax.f32 v0, v4  }
0x145: {  	v4 =	vmax.f32 v10, v26;
	v31 =	vmax.f32 v23, v30;
	v7 =	vmin.f32 v23, v30  }
0x146: {  	v39 =	vmax.f32 v4, v1;
	v1 =	vmin.f32 v4, v1;
	v4 =	vmin.f32 v35, v40  }
0x147: {  	(erf) = vpow2.f32 v45;
	v43 =	vmax.f32 v5, v1;
	v44 =	vmax.f32 v37, v4  }
0x148: {  	v1 =	vmin.f32 v5, v1;
	v4 =	vmin.f32 v37, v4;
	v5 =	vsub.f32 v44, v34  }
0x149: {  	v0 =	vmax.f32 v0, v7;
	v46 =	vmax.f32 v39, v4;
	v4 =	vmin.f32 v39, v4  }
0x14a: {  	v47 =	vmax.f32 v31, v1;
	v48 =	vsub.f32 v46, v34;
	v5 =	vmul.f32 $1.442695020e+00, v5  }
0x14b: {  	v1 =	vmin.f32 v31, v1;
	v49 =	vmax.f32 v43, v4;
	v2 =	vmin.f32 v43, v4  }
0x14c: {  	v51 =	vsub.f32 v49, v34;
	v50 =	vmul.f32 $1.442695020e+00, v48;
	(erf) = vpow2.f32 v5  }
0x14d: {  	v0 =	vmax.f32 v0, v1;
	v52 =	vmax.f32 v47, v2;
	v2 =	vmin.f32 v47, v2  }
0x14e: {  	v53 =	vpop (erf);
	v1 =	vsub.f32 v52, v34;
	v54 =	vmul.f32 $1.442695020e+00, v51;
	(erf) = vpow2.f32 v50  }
0x14f: {  	v55 =	vadd.f32 $0.0e+00, v53;
	v0 =	vmax.f32 v0, v2  }
0x150: {  	v0 =	vsub.f32 v0, v34;
	v1 =	vmul.f32 $1.442695020e+00, v1;
	(erf) = vpow2.f32 v54  }
0x151: {  	v56 =	vpop (erf)  }
0x152: {  	v2 =	vadd.f32 v56, v55;
	v0 =	vmul.f32 $1.442695020e+00, v0;
	(erf) = vpow2.f32 v1  }
0x153: {  	v57 =	vpop (erf)  }
0x154: {  	v1 =	vadd.f32 v57, v2;
	(erf) = vpow2.f32 v0  }
0x155: {  	v58 =	vpop (erf)  }
0x156: {  	v0 =	vadd.f32 v58, v1  }
0x157: {  	v59 =	vpop (erf)  }
0x158: {  	v0 =	vadd.f32 v59, v0  }
0x159: {  	v60 =	vpop (erf)  }
0x15a: {  	v0 =	vadd.f32 v60, v0  }
0x15b: {  	v61 =	vpop (erf)  }
0x15c: {  	v0 =	vadd.f32 v61, v0  }
0x15d: {  	v62 =	vpop (erf)  }
0x15e: {  	v0 =	vadd.f32 v62, v0;
	_ =	sdelay $0x1  }
0x15f: {  	(erf) = vrcp.f32 v0;
	_ =	sdelay $0x8  }
0x160: {  	v63 =	vpop (erf)  }
0x161: {  	v0 =	vmul.f32 v63, v0  }
0x162: {  	p0 =	sne.s32 s6, $0x1  }
.Ltmp1:
0x163: {  	[tilespmem:$0x2000] =	vst v0;
	(pc) =	sbr.rel @p0 .LBB2_2-.Ltmp1, $4  }
0x164: {  	[hbm4b:s5+s3] =	stream.linear.scatter [tilespmem:s8], [sflag:$0x1], $0x10, $0x38;
	[tilespmem:$0x2080] =	vst v63  }
0x165: {  	_ =	swait.ge [sflag:s7], $0x10  }
0x166: {  	[sflag:s7] =	ssyncset.done $0x0  }
0x167: {  	s6 =	sadd.s32 $0xFFFFFFFF, s6;
	[sflag:s7] =	ssyncadd.s32 $0xFFFFFFF0  }
.LBB2_3:
0x168: {  	_ =	sfence.sel $0x180000  }
0x169: {  	[bflag:$0x0] =	sbarrier.arrive $0xFFFF  }
0x16a: {  	p0 =	sne.s32 s1, $0x0;
	_ =	strace $0x90000047  }
0x16b: {  	s0 =	sadd.s32 @!p0 $0x100000, s0;
	[bflag:$0x2] =	sbarrier.arrive $0xFFFF  }
0x16c: {  	[sflag:s0] =	ssyncadd.tile.s32 @!p0 $0x1;
	_ =	shalt  }
.Lfunc_end2:
_tile_overlayer_lowered:
.L_overlay_start_2:
0x16d: {  	(tag) =	ssettag $0x2  }
0x16e: {  	s0 =	rddreg [dreg:$0x0];
	s2 =	stileid.u32  }
0x16f: {  	s1 =	rddreg [dreg:$0x1];
	p0 =	sne.s32 s2, $0x0  }
0x170: {  	s3 =	rddreg [dreg:$0x2];
	[bflag:$0x3] =	sbarrier.arrive $0xFFFF;
	s2 =	simm.s32 @!p0 $0x1C01  }
0x171: {  	[timem:s3], [sflag:s2] =	dma.local @!p0 [hbm:s0], s1  }
0x172: {  	s0 =	simm.s32 @!p0 $0x1  }
0x173: {  	_ =	swait.ge @!p0 [sflag:s0], s1  }
0x174: {  	s1 =	ssub.s32 @!p0 $0x0, s1;
	[sflag:s0] =	ssyncset.done @!p0 $0x0  }
0x175: {  	[sflag:s0] =	ssyncadd.s32 @!p0 s1  }
0x176: {  	[bflag:$0x3] =	sbarrier.arrive $0xFFFF  }
0x177: {  	_ =	shalt  }

</sc_bundles>
